<compile_context>
chip_gen: v7x
topology: tpu7x:2x2x1
jax: 0.10.2.dev20260603
libtpu: 0.0.44.dev20260713+nightly
codegen_flags: <defaults>
</compile_context>

<pallas_src>
import functools

import jax
import jax.numpy as jnp
from jax import lax
from jax.experimental import pallas as pl
from jax.experimental.pallas import tpu as pltpu
from jax.experimental.pallas import tpu_sc as plsc

N = 16384
D = 128
V = 1000
TROWS = 64
CHUNK = 128
NC = 2
NS = 16
NW = NC * NS
ROWS_PER_W = N // NW
CHUNKS_PER_W = ROWS_PER_W // CHUNK
NIDX_ROWS = N // CHUNK

_mesh = plsc.VectorSubcoreMesh(core_axis_name="c", subcore_axis_name="s")


@functools.partial(
    pl.kernel,
    mesh=_mesh,
    out_type=jax.ShapeDtypeStruct((N, 2 * D), jnp.float32),
    scratch_types=[
        pltpu.VMEM((CHUNKS_PER_W, CHUNK), jnp.int32),
        pltpu.VMEM((3, 2, CHUNK, D), jnp.float32),
        pltpu.VMEM_SHARED((V, D), jnp.float32),
        pltpu.SemaphoreType.DMA,
        pltpu.SemaphoreType.DMA,
        pltpu.SemaphoreType.DMA,
    ],
)
def _emb_concat(x_hbm, y_hbm, emb_hbm, out_hbm, idx_v, obuf, tab_sh, gsem, xsem, wsem):
    sid = lax.axis_index("s")
    wid = sid * NC + lax.axis_index("c")
    base = wid * ROWS_PER_W
    trow = jnp.minimum(sid * TROWS, V - TROWS)
    ct = pltpu.async_copy(
        emb_hbm.at[pl.ds(trow, TROWS)], tab_sh.at[pl.ds(trow, TROWS)], wsem
    )
    ci = pltpu.async_copy(
        y_hbm.at[pl.ds(wid * CHUNKS_PER_W, CHUNKS_PER_W)], idx_v, gsem
    )
    NBUF = 3
    loads_g = [None] * CHUNKS_PER_W
    loads_x = [None] * CHUNKS_PER_W
    writes = [None] * CHUNKS_PER_W

    for j in range(min(NBUF, CHUNKS_PER_W)):
        loads_x[j] = pltpu.async_copy(
            x_hbm.at[pl.ds(base + j * CHUNK, CHUNK)], obuf.at[j % NBUF, 0], xsem
        )
    ct.wait()
    plsc.subcore_barrier()
    ci.wait()

    def fire_writes(j):
        b = j % NBUF
        loads_g[j].wait()
        loads_x[j].wait()
        r0 = pl.ds(base + j * CHUNK, CHUNK)
        writes[j] = (
            pltpu.async_copy(obuf.at[b, 0], out_hbm.at[r0, pl.ds(0, D)], wsem),
            pltpu.async_copy(obuf.at[b, 1], out_hbm.at[r0, pl.ds(D, D)], wsem),
        )

    for j in range(CHUNKS_PER_W):
        b = j % NBUF
        if j >= NBUF:
            for c in writes[j - NBUF]:
                c.wait()
            loads_x[j] = pltpu.async_copy(
                x_hbm.at[pl.ds(base + j * CHUNK, CHUNK)], obuf.at[b, 0], xsem
            )
        loads_g[j] = pltpu.async_copy(tab_sh.at[idx_v.at[j]], obuf.at[b, 1], gsem)
        if j >= 1:
            fire_writes(j - 1)
    fire_writes(CHUNKS_PER_W - 1)
    for j in range(max(0, CHUNKS_PER_W - NBUF), CHUNKS_PER_W):
        for c in writes[j]:
            c.wait()


def kernel(x, y, embedding):
    y2d = y.astype(jnp.int32).reshape(NIDX_ROWS, CHUNK)
    return _emb_concat(x, y2d, embedding)

# --- scband reference (transcript-rebuilt; emitter-appended) ---
"""Pipeline reference for scband-label-embedding-84061099918092 (READ-ONLY COPY).

The authoritative reference and input builder live on the scoring server;
editing this copy changes nothing except your own understanding.
"""

import jax, jax.numpy as jnp
import numpy as np


def setup_inputs(seed: int = 0) -> dict:
    key = jax.random.key(seed)
    k1, k2, k3 = jax.random.split(key, 3)
    x = jax.random.normal(k1, (16384, 128), dtype=jnp.float32)
    y = jax.random.randint(k2, (16384,), 0, 1000, dtype=jnp.int64)
    embedding = jax.random.normal(k3, (1000, 128), dtype=jnp.float32)
    return {"x": x, "y": y, "embedding": embedding}


def reference(x, y, embedding):
    # torch.hstack on 2D tensors concatenates along dim=1
    emb = jnp.take(embedding, y, axis=0)
    return jnp.concatenate((x, emb), axis=1)

if __name__ == "__main__":
    import jax
    _d = setup_inputs()
    print(jax.jit(kernel)(*tuple(_d.values())))

</pallas_src>

<mosaic_0001>
#map = affine_map<(d0, d1) -> (0, 0)>
module attributes {stable_mosaic.version = 14 : i64} {
  func.func @_emb_concat(%arg0: i32, %arg1: i32, %arg2: memref<16384x128xf32, #tpu.memory_space<hbm>>, %arg3: memref<128x128xi32, #tpu.memory_space<hbm>>, %arg4: memref<1000x128xf32, #tpu.memory_space<hbm>>, %arg5: memref<16384x256xf32, #tpu.memory_space<hbm>>, %arg6: memref<4x128xi32, #tpu.memory_space<vmem>>, %arg7: memref<3x2x128x128xf32, #tpu.memory_space<vmem>>, %arg8: memref<1000x128xf32, #tpu.memory_space<vmem_shared>>, %arg9: memref<!tpu.dma_semaphore, #tpu.memory_space<semaphore_mem>>, %arg10: memref<!tpu.dma_semaphore, #tpu.memory_space<semaphore_mem>>, %arg11: memref<!tpu.dma_semaphore, #tpu.memory_space<semaphore_mem>>) attributes {dimension_semantics = [#tpu.dimension_semantics<core_parallel>, #tpu.dimension_semantics<subcore_parallel>], iteration_bounds = array<i64: 2, 16>, scalar_prefetch = 0 : i64, scratch_operands = 6 : i64, tpu.core_type = #tpu.core_type<sc_vector_subcore>, window_params = [{transform_indices = #map}, {transform_indices = #map}, {transform_indices = #map}, {transform_indices = #map}]} {
    %mul3A = arith.constant 2 : i32
    %mul3A_0 = arith.muli %arg1, %mul3A : i32
    %add3A = arith.addi %mul3A_0, %arg0 : i32
    %mul3A_1 = arith.constant 512 : i32
    %mul3A_2 = arith.muli %add3A, %mul3A_1 : i32
    %mul3A_3 = arith.constant 64 : i32
    %mul3A_4 = arith.muli %arg1, %mul3A_3 : i32
    %min3A = arith.constant 936 : i32
    %min3A_5 = arith.minsi %mul3A_4, %min3A : i32
    %dma_start3A = arith.constant 0 : i32
    %dma_start3A_6 = tpu.memref_slice %arg8[%min3A_5, %dma_start3A] : memref<1000x128xf32, #tpu.memory_space<vmem_shared>> -> memref<64x128xf32, #tpu.memory_space<vmem_shared>>
    %dma_start3A_7 = arith.constant 0 : i32
    %dma_start3A_8 = tpu.memref_slice %arg4[%min3A_5, %dma_start3A_7] : memref<1000x128xf32, #tpu.memory_space<hbm>> -> memref<64x128xf32, #tpu.memory_space<hbm>>
    tpu.enqueue_dma source(%dma_start3A_8 : memref<64x128xf32, #tpu.memory_space<hbm>>) target(%dma_start3A_6 : memref<64x128xf32, #tpu.memory_space<vmem_shared>>) target_semaphore(%arg11 : memref<!tpu.dma_semaphore, #tpu.memory_space<semaphore_mem>>)
    %mul3A_9 = arith.constant 4 : i32
    %mul3A_10 = arith.muli %add3A, %mul3A_9 : i32
    %dma_start3A_11 = arith.constant 0 : i32
    %dma_start3A_12 = tpu.memref_slice %arg3[%mul3A_10, %dma_start3A_11] : memref<128x128xi32, #tpu.memory_space<hbm>> -> memref<4x128xi32, #tpu.memory_space<hbm>>
    %dma_start3A_13 = arith.constant 0 : i32
    %dma_start3A_14 = tpu.memref_slice %arg3[%mul3A_10, %dma_start3A_13] : memref<128x128xi32, #tpu.memory_space<hbm>> -> memref<4x128xi32, #tpu.memory_space<hbm>>
    tpu.enqueue_dma source(%dma_start3A_14 : memref<4x128xi32, #tpu.memory_space<hbm>>) target(%arg6 : memref<4x128xi32, #tpu.memory_space<vmem>>) target_semaphore(%arg9 : memref<!tpu.dma_semaphore, #tpu.memory_space<semaphore_mem>>)
    %add3A_15 = arith.constant 0 : i32
    %add3A_16 = arith.addi %mul3A_2, %add3A_15 : i32
    %dma_start3A_17 = arith.constant 0 : i32
    %dma_start3A_18 = arith.constant 0 : i32
    %dma_start3A_19 = arith.constant 0 : i32
    %dma_start3A_20 = arith.constant 0 : i32
    %dma_start3A_21 = tpu.memref_slice %arg7[%dma_start3A_17, %dma_start3A_18, %dma_start3A_19, %dma_start3A_20] : memref<3x2x128x128xf32, #tpu.memory_space<vmem>> -> memref<1x1x128x128xf32, #tpu.memory_space<vmem>>
    %dma_start3A_22 = tpu.memref_squeeze %dma_start3A_21 : memref<1x1x128x128xf32, #tpu.memory_space<vmem>> -> memref<128x128xf32, #tpu.memory_space<vmem>>
    %dma_start3A_23 = arith.constant 0 : i32
    %dma_start3A_24 = tpu.memref_slice %arg2[%add3A_16, %dma_start3A_23] : memref<16384x128xf32, #tpu.memory_space<hbm>> -> memref<128x128xf32, #tpu.memory_space<hbm>>
    %dma_start3A_25 = arith.constant 0 : i32
    %dma_start3A_26 = arith.constant 0 : i32
    %dma_start3A_27 = tpu.memref_slice %arg7[%dma_start3A_17, %dma_start3A_18, %dma_start3A_25, %dma_start3A_26] : memref<3x2x128x128xf32, #tpu.memory_space<vmem>> -> memref<1x1x128x128xf32, #tpu.memory_space<vmem>>
    %dma_start3A_28 = tpu.memref_squeeze %dma_start3A_27 : memref<1x1x128x128xf32, #tpu.memory_space<vmem>> -> memref<128x128xf32, #tpu.memory_space<vmem>>
    %dma_start3A_29 = arith.constant 0 : i32
    %dma_start3A_30 = tpu.memref_slice %arg2[%add3A_16, %dma_start3A_29] : memref<16384x128xf32, #tpu.memory_space<hbm>> -> memref<128x128xf32, #tpu.memory_space<hbm>>
    tpu.enqueue_dma source(%dma_start3A_30 : memref<128x128xf32, #tpu.memory_space<hbm>>) target(%dma_start3A_28 : memref<128x128xf32, #tpu.memory_space<vmem>>) target_semaphore(%arg10 : memref<!tpu.dma_semaphore, #tpu.memory_space<semaphore_mem>>)
    %add3A_31 = arith.constant 128 : i32
    %add3A_32 = arith.addi %mul3A_2, %add3A_31 : i32
    %dma_start3A_33 = arith.constant 1 : i32
    %dma_start3A_34 = arith.constant 0 : i32
    %dma_start3A_35 = arith.constant 0 : i32
    %dma_start3A_36 = arith.constant 0 : i32
    %dma_start3A_37 = tpu.memref_slice %arg7[%dma_start3A_33, %dma_start3A_34, %dma_start3A_35, %dma_start3A_36] : memref<3x2x128x128xf32, #tpu.memory_space<vmem>> -> memref<1x1x128x128xf32, #tpu.memory_space<vmem>>
    %dma_start3A_38 = tpu.memref_squeeze %dma_start3A_37 : memref<1x1x128x128xf32, #tpu.memory_space<vmem>> -> memref<128x128xf32, #tpu.memory_space<vmem>>
    %dma_start3A_39 = arith.constant 0 : i32
    %dma_start3A_40 = tpu.memref_slice %arg2[%add3A_32, %dma_start3A_39] : memref<16384x128xf32, #tpu.memory_space<hbm>> -> memref<128x128xf32, #tpu.memory_space<hbm>>
    %dma_start3A_41 = arith.constant 0 : i32
    %dma_start3A_42 = arith.constant 0 : i32
    %dma_start3A_43 = tpu.memref_slice %arg7[%dma_start3A_33, %dma_start3A_34, %dma_start3A_41, %dma_start3A_42] : memref<3x2x128x128xf32, #tpu.memory_space<vmem>> -> memref<1x1x128x128xf32, #tpu.memory_space<vmem>>
    %dma_start3A_44 = tpu.memref_squeeze %dma_start3A_43 : memref<1x1x128x128xf32, #tpu.memory_space<vmem>> -> memref<128x128xf32, #tpu.memory_space<vmem>>
    %dma_start3A_45 = arith.constant 0 : i32
    %dma_start3A_46 = tpu.memref_slice %arg2[%add3A_32, %dma_start3A_45] : memref<16384x128xf32, #tpu.memory_space<hbm>> -> memref<128x128xf32, #tpu.memory_space<hbm>>
    tpu.enqueue_dma source(%dma_start3A_46 : memref<128x128xf32, #tpu.memory_space<hbm>>) target(%dma_start3A_44 : memref<128x128xf32, #tpu.memory_space<vmem>>) target_semaphore(%arg10 : memref<!tpu.dma_semaphore, #tpu.memory_space<semaphore_mem>>)
    %add3A_47 = arith.constant 256 : i32
    %add3A_48 = arith.addi %mul3A_2, %add3A_47 : i32
    %dma_start3A_49 = arith.constant 2 : i32
    %dma_start3A_50 = arith.constant 0 : i32
    %dma_start3A_51 = arith.constant 0 : i32
    %dma_start3A_52 = arith.constant 0 : i32
    %dma_start3A_53 = tpu.memref_slice %arg7[%dma_start3A_49, %dma_start3A_50, %dma_start3A_51, %dma_start3A_52] : memref<3x2x128x128xf32, #tpu.memory_space<vmem>> -> memref<1x1x128x128xf32, #tpu.memory_space<vmem>>
    %dma_start3A_54 = tpu.memref_squeeze %dma_start3A_53 : memref<1x1x128x128xf32, #tpu.memory_space<vmem>> -> memref<128x128xf32, #tpu.memory_space<vmem>>
    %dma_start3A_55 = arith.constant 0 : i32
    %dma_start3A_56 = tpu.memref_slice %arg2[%add3A_48, %dma_start3A_55] : memref<16384x128xf32, #tpu.memory_space<hbm>> -> memref<128x128xf32, #tpu.memory_space<hbm>>
    %dma_start3A_57 = arith.constant 0 : i32
    %dma_start3A_58 = arith.constant 0 : i32
    %dma_start3A_59 = tpu.memref_slice %arg7[%dma_start3A_49, %dma_start3A_50, %dma_start3A_57, %dma_start3A_58] : memref<3x2x128x128xf32, #tpu.memory_space<vmem>> -> memref<1x1x128x128xf32, #tpu.memory_space<vmem>>
    %dma_start3A_60 = tpu.memref_squeeze %dma_start3A_59 : memref<1x1x128x128xf32, #tpu.memory_space<vmem>> -> memref<128x128xf32, #tpu.memory_space<vmem>>
    %dma_start3A_61 = arith.constant 0 : i32
    %dma_start3A_62 = tpu.memref_slice %arg2[%add3A_48, %dma_start3A_61] : memref<16384x128xf32, #tpu.memory_space<hbm>> -> memref<128x128xf32, #tpu.memory_space<hbm>>
    tpu.enqueue_dma source(%dma_start3A_62 : memref<128x128xf32, #tpu.memory_space<hbm>>) target(%dma_start3A_60 : memref<128x128xf32, #tpu.memory_space<vmem>>) target_semaphore(%arg10 : memref<!tpu.dma_semaphore, #tpu.memory_space<semaphore_mem>>)
    %dma_wait3A = arith.constant 0 : i32
    %dma_wait3A_63 = tpu.memref_slice %arg8[%min3A_5, %dma_wait3A] : memref<1000x128xf32, #tpu.memory_space<vmem_shared>> -> memref<64x128xf32, #tpu.memory_space<vmem_shared>>
    %dma_wait3A_64 = arith.constant 0 : i32
    %dma_wait3A_65 = tpu.memref_slice %arg4[%min3A_5, %dma_wait3A_64] : memref<1000x128xf32, #tpu.memory_space<hbm>> -> memref<64x128xf32, #tpu.memory_space<hbm>>
    tpu.wait_dma2 semaphore(%arg11 : memref<!tpu.dma_semaphore, #tpu.memory_space<semaphore_mem>>) src(%dma_wait3A_65 : memref<64x128xf32, #tpu.memory_space<hbm>>) dst(%dma_wait3A_63 : memref<64x128xf32, #tpu.memory_space<vmem_shared>>)
    %barrier3A = arith.constant 0 : index
    tpu.barrier barrier_id(%barrier3A)
    %dma_wait3A_66 = arith.constant 0 : i32
    %dma_wait3A_67 = tpu.memref_slice %arg3[%mul3A_10, %dma_wait3A_66] : memref<128x128xi32, #tpu.memory_space<hbm>> -> memref<4x128xi32, #tpu.memory_space<hbm>>
    %dma_wait3A_68 = arith.constant 0 : i32
    %dma_wait3A_69 = tpu.memref_slice %arg3[%mul3A_10, %dma_wait3A_68] : memref<128x128xi32, #tpu.memory_space<hbm>> -> memref<4x128xi32, #tpu.memory_space<hbm>>
    tpu.wait_dma2 semaphore(%arg9 : memref<!tpu.dma_semaphore, #tpu.memory_space<semaphore_mem>>) src(%dma_wait3A_69 : memref<4x128xi32, #tpu.memory_space<hbm>>) dst(%arg6 : memref<4x128xi32, #tpu.memory_space<vmem>>)
    %dma_start3A_70 = arith.constant 0 : i32
    %dma_start3A_71 = arith.constant 0 : i32
    %dma_start3A_72 = arith.constant 1 : i32
    %dma_start3A_73 = arith.constant 0 : i32
    %dma_start3A_74 = arith.constant 0 : i32
    %dma_start3A_75 = tpu.memref_slice %arg7[%dma_start3A_71, %dma_start3A_72, %dma_start3A_73, %dma_start3A_74] : memref<3x2x128x128xf32, #tpu.memory_space<vmem>> -> memref<1x1x128x128xf32, #tpu.memory_space<vmem>>
    %dma_start3A_76 = tpu.memref_squeeze %dma_start3A_75 : memref<1x1x128x128xf32, #tpu.memory_space<vmem>> -> memref<128x128xf32, #tpu.memory_space<vmem>>
    %dma_start3A_77 = arith.constant 0 : i32
    %dma_start3A_78 = tpu.memref_slice %arg6[%dma_start3A_70, %dma_start3A_77] : memref<4x128xi32, #tpu.memory_space<vmem>> -> memref<1x128xi32, #tpu.memory_space<vmem>>
    %dma_start3A_79 = tpu.memref_squeeze %dma_start3A_78 : memref<1x128xi32, #tpu.memory_space<vmem>> -> memref<128xi32, #tpu.memory_space<vmem>>
    %dma_start3A_80 = arith.constant 0 : i32
    %dma_start3A_81 = arith.constant 0 : i32
    %dma_start3A_82 = tpu.memref_slice %arg8[%dma_start3A_80, %dma_start3A_81] : memref<1000x128xf32, #tpu.memory_space<vmem_shared>> -> memref<1000x128xf32, #tpu.memory_space<vmem_shared>>
    tpu.enqueue_indirect_dma source(%dma_start3A_82 : memref<1000x128xf32, #tpu.memory_space<vmem_shared>>) target(%dma_start3A_76 : memref<128x128xf32, #tpu.memory_space<vmem>>) offsets(%dma_start3A_79 : memref<128xi32, #tpu.memory_space<vmem>>) semaphore(%arg9 : memref<!tpu.dma_semaphore, #tpu.memory_space<semaphore_mem>>)
    %dma_start3A_83 = arith.constant 1 : i32
    %dma_start3A_84 = arith.constant 1 : i32
    %dma_start3A_85 = arith.constant 1 : i32
    %dma_start3A_86 = arith.constant 0 : i32
    %dma_start3A_87 = arith.constant 0 : i32
    %dma_start3A_88 = tpu.memref_slice %arg7[%dma_start3A_84, %dma_start3A_85, %dma_start3A_86, %dma_start3A_87] : memref<3x2x128x128xf32, #tpu.memory_space<vmem>> -> memref<1x1x128x128xf32, #tpu.memory_space<vmem>>
    %dma_start3A_89 = tpu.memref_squeeze %dma_start3A_88 : memref<1x1x128x128xf32, #tpu.memory_space<vmem>> -> memref<128x128xf32, #tpu.memory_space<vmem>>
    %dma_start3A_90 = arith.constant 0 : i32
    %dma_start3A_91 = tpu.memref_slice %arg6[%dma_start3A_83, %dma_start3A_90] : memref<4x128xi32, #tpu.memory_space<vmem>> -> memref<1x128xi32, #tpu.memory_space<vmem>>
    %dma_start3A_92 = tpu.memref_squeeze %dma_start3A_91 : memref<1x128xi32, #tpu.memory_space<vmem>> -> memref<128xi32, #tpu.memory_space<vmem>>
    %dma_start3A_93 = arith.constant 0 : i32
    %dma_start3A_94 = arith.constant 0 : i32
    %dma_start3A_95 = tpu.memref_slice %arg8[%dma_start3A_93, %dma_start3A_94] : memref<1000x128xf32, #tpu.memory_space<vmem_shared>> -> memref<1000x128xf32, #tpu.memory_space<vmem_shared>>
    tpu.enqueue_indirect_dma source(%dma_start3A_95 : memref<1000x128xf32, #tpu.memory_space<vmem_shared>>) target(%dma_start3A_89 : memref<128x128xf32, #tpu.memory_space<vmem>>) offsets(%dma_start3A_92 : memref<128xi32, #tpu.memory_space<vmem>>) semaphore(%arg9 : memref<!tpu.dma_semaphore, #tpu.memory_space<semaphore_mem>>)
    %dma_wait3A_96 = arith.constant 0 : i32
    %dma_wait3A_97 = arith.constant 0 : i32
    %dma_wait3A_98 = arith.constant 1 : i32
    %dma_wait3A_99 = arith.constant 0 : i32
    %dma_wait3A_100 = arith.constant 0 : i32
    %dma_wait3A_101 = tpu.memref_slice %arg7[%dma_wait3A_97, %dma_wait3A_98, %dma_wait3A_99, %dma_wait3A_100] : memref<3x2x128x128xf32, #tpu.memory_space<vmem>> -> memref<1x1x128x128xf32, #tpu.memory_space<vmem>>
    %dma_wait3A_102 = tpu.memref_squeeze %dma_wait3A_101 : memref<1x1x128x128xf32, #tpu.memory_space<vmem>> -> memref<128x128xf32, #tpu.memory_space<vmem>>
    %dma_wait3A_103 = arith.constant 0 : i32
    %dma_wait3A_104 = tpu.memref_slice %arg6[%dma_wait3A_96, %dma_wait3A_103] : memref<4x128xi32, #tpu.memory_space<vmem>> -> memref<1x128xi32, #tpu.memory_space<vmem>>
    %dma_wait3A_105 = tpu.memref_squeeze %dma_wait3A_104 : memref<1x128xi32, #tpu.memory_space<vmem>> -> memref<128xi32, #tpu.memory_space<vmem>>
    %dma_wait3A_106 = arith.constant 0 : i32
    %dma_wait3A_107 = arith.constant 0 : i32
    %dma_wait3A_108 = tpu.memref_slice %arg8[%dma_wait3A_106, %dma_wait3A_107] : memref<1000x128xf32, #tpu.memory_space<vmem_shared>> -> memref<1000x128xf32, #tpu.memory_space<vmem_shared>>
    tpu.wait_indirect_dma semaphore(%arg9 : memref<!tpu.dma_semaphore, #tpu.memory_space<semaphore_mem>>) src(%dma_wait3A_108 : memref<1000x128xf32, #tpu.memory_space<vmem_shared>>) dst(%dma_wait3A_102 : memref<128x128xf32, #tpu.memory_space<vmem>>)
    %dma_wait3A_109 = arith.constant 0 : i32
    %dma_wait3A_110 = arith.constant 0 : i32
    %dma_wait3A_111 = arith.constant 0 : i32
    %dma_wait3A_112 = arith.constant 0 : i32
    %dma_wait3A_113 = tpu.memref_slice %arg7[%dma_wait3A_109, %dma_wait3A_110, %dma_wait3A_111, %dma_wait3A_112] : memref<3x2x128x128xf32, #tpu.memory_space<vmem>> -> memref<1x1x128x128xf32, #tpu.memory_space<vmem>>
    %dma_wait3A_114 = tpu.memref_squeeze %dma_wait3A_113 : memref<1x1x128x128xf32, #tpu.memory_space<vmem>> -> memref<128x128xf32, #tpu.memory_space<vmem>>
    %dma_wait3A_115 = arith.constant 0 : i32
    %dma_wait3A_116 = tpu.memref_slice %arg2[%add3A_16, %dma_wait3A_115] : memref<16384x128xf32, #tpu.memory_space<hbm>> -> memref<128x128xf32, #tpu.memory_space<hbm>>
    %dma_wait3A_117 = arith.constant 0 : i32
    %dma_wait3A_118 = arith.constant 0 : i32
    %dma_wait3A_119 = tpu.memref_slice %arg7[%dma_wait3A_109, %dma_wait3A_110, %dma_wait3A_117, %dma_wait3A_118] : memref<3x2x128x128xf32, #tpu.memory_space<vmem>> -> memref<1x1x128x128xf32, #tpu.memory_space<vmem>>
    %dma_wait3A_120 = tpu.memref_squeeze %dma_wait3A_119 : memref<1x1x128x128xf32, #tpu.memory_space<vmem>> -> memref<128x128xf32, #tpu.memory_space<vmem>>
    %dma_wait3A_121 = arith.constant 0 : i32
    %dma_wait3A_122 = tpu.memref_slice %arg2[%add3A_16, %dma_wait3A_121] : memref<16384x128xf32, #tpu.memory_space<hbm>> -> memref<128x128xf32, #tpu.memory_space<hbm>>
    tpu.wait_dma2 semaphore(%arg10 : memref<!tpu.dma_semaphore, #tpu.memory_space<semaphore_mem>>) src(%dma_wait3A_122 : memref<128x128xf32, #tpu.memory_space<hbm>>) dst(%dma_wait3A_120 : memref<128x128xf32, #tpu.memory_space<vmem>>)
    %add3A_123 = arith.constant 0 : i32
    %add3A_124 = arith.addi %mul3A_2, %add3A_123 : i32
    %dma_start3A_125 = arith.constant 0 : i32
    %dma_start3A_126 = arith.constant 0 : i32
    %dma_start3A_127 = arith.constant 0 : i32
    %dma_start3A_128 = arith.constant 0 : i32
    %dma_start3A_129 = tpu.memref_slice %arg7[%dma_start3A_125, %dma_start3A_126, %dma_start3A_127, %dma_start3A_128] : memref<3x2x128x128xf32, #tpu.memory_space<vmem>> -> memref<1x1x128x128xf32, #tpu.memory_space<vmem>>
    %dma_start3A_130 = tpu.memref_squeeze %dma_start3A_129 : memref<1x1x128x128xf32, #tpu.memory_space<vmem>> -> memref<128x128xf32, #tpu.memory_space<vmem>>
    %dma_start3A_131 = arith.constant 0 : i32
    %dma_start3A_132 = tpu.memref_slice %arg5[%add3A_124, %dma_start3A_131] : memref<16384x256xf32, #tpu.memory_space<hbm>> -> memref<128x128xf32, #tpu.memory_space<hbm>>
    %dma_start3A_133 = arith.constant 0 : i32
    %dma_start3A_134 = tpu.memref_slice %arg5[%add3A_124, %dma_start3A_133] : memref<16384x256xf32, #tpu.memory_space<hbm>> -> memref<128x128xf32, #tpu.memory_space<hbm>>
    %dma_start3A_135 = arith.constant 0 : i32
    %dma_start3A_136 = arith.constant 0 : i32
    %dma_start3A_137 = tpu.memref_slice %arg7[%dma_start3A_125, %dma_start3A_126, %dma_start3A_135, %dma_start3A_136] : memref<3x2x128x128xf32, #tpu.memory_space<vmem>> -> memref<1x1x128x128xf32, #tpu.memory_space<vmem>>
    %dma_start3A_138 = tpu.memref_squeeze %dma_start3A_137 : memref<1x1x128x128xf32, #tpu.memory_space<vmem>> -> memref<128x128xf32, #tpu.memory_space<vmem>>
    tpu.enqueue_dma source(%dma_start3A_138 : memref<128x128xf32, #tpu.memory_space<vmem>>) target(%dma_start3A_134 : memref<128x128xf32, #tpu.memory_space<hbm>>) target_semaphore(%arg11 : memref<!tpu.dma_semaphore, #tpu.memory_space<semaphore_mem>>)
    %dma_start3A_139 = arith.constant 0 : i32
    %dma_start3A_140 = arith.constant 1 : i32
    %dma_start3A_141 = arith.constant 0 : i32
    %dma_start3A_142 = arith.constant 0 : i32
    %dma_start3A_143 = tpu.memref_slice %arg7[%dma_start3A_139, %dma_start3A_140, %dma_start3A_141, %dma_start3A_142] : memref<3x2x128x128xf32, #tpu.memory_space<vmem>> -> memref<1x1x128x128xf32, #tpu.memory_space<vmem>>
    %dma_start3A_144 = tpu.memref_squeeze %dma_start3A_143 : memref<1x1x128x128xf32, #tpu.memory_space<vmem>> -> memref<128x128xf32, #tpu.memory_space<vmem>>
    %dma_start3A_145 = arith.constant 128 : i32
    %dma_start3A_146 = tpu.memref_slice %arg5[%add3A_124, %dma_start3A_145] : memref<16384x256xf32, #tpu.memory_space<hbm>> -> memref<128x128xf32, #tpu.memory_space<hbm>>
    %dma_start3A_147 = arith.constant 128 : i32
    %dma_start3A_148 = tpu.memref_slice %arg5[%add3A_124, %dma_start3A_147] : memref<16384x256xf32, #tpu.memory_space<hbm>> -> memref<128x128xf32, #tpu.memory_space<hbm>>
    %dma_start3A_149 = arith.constant 0 : i32
    %dma_start3A_150 = arith.constant 0 : i32
    %dma_start3A_151 = tpu.memref_slice %arg7[%dma_start3A_139, %dma_start3A_140, %dma_start3A_149, %dma_start3A_150] : memref<3x2x128x128xf32, #tpu.memory_space<vmem>> -> memref<1x1x128x128xf32, #tpu.memory_space<vmem>>
    %dma_start3A_152 = tpu.memref_squeeze %dma_start3A_151 : memref<1x1x128x128xf32, #tpu.memory_space<vmem>> -> memref<128x128xf32, #tpu.memory_space<vmem>>
    tpu.enqueue_dma source(%dma_start3A_152 : memref<128x128xf32, #tpu.memory_space<vmem>>) target(%dma_start3A_148 : memref<128x128xf32, #tpu.memory_space<hbm>>) target_semaphore(%arg11 : memref<!tpu.dma_semaphore, #tpu.memory_space<semaphore_mem>>)
    %dma_start3A_153 = arith.constant 2 : i32
    %dma_start3A_154 = arith.constant 2 : i32
    %dma_start3A_155 = arith.constant 1 : i32
    %dma_start3A_156 = arith.constant 0 : i32
    %dma_start3A_157 = arith.constant 0 : i32
    %dma_start3A_158 = tpu.memref_slice %arg7[%dma_start3A_154, %dma_start3A_155, %dma_start3A_156, %dma_start3A_157] : memref<3x2x128x128xf32, #tpu.memory_space<vmem>> -> memref<1x1x128x128xf32, #tpu.memory_space<vmem>>
    %dma_start3A_159 = tpu.memref_squeeze %dma_start3A_158 : memref<1x1x128x128xf32, #tpu.memory_space<vmem>> -> memref<128x128xf32, #tpu.memory_space<vmem>>
    %dma_start3A_160 = arith.constant 0 : i32
    %dma_start3A_161 = tpu.memref_slice %arg6[%dma_start3A_153, %dma_start3A_160] : memref<4x128xi32, #tpu.memory_space<vmem>> -> memref<1x128xi32, #tpu.memory_space<vmem>>
    %dma_start3A_162 = tpu.memref_squeeze %dma_start3A_161 : memref<1x128xi32, #tpu.memory_space<vmem>> -> memref<128xi32, #tpu.memory_space<vmem>>
    %dma_start3A_163 = arith.constant 0 : i32
    %dma_start3A_164 = arith.constant 0 : i32
    %dma_start3A_165 = tpu.memref_slice %arg8[%dma_start3A_163, %dma_start3A_164] : memref<1000x128xf32, #tpu.memory_space<vmem_shared>> -> memref<1000x128xf32, #tpu.memory_space<vmem_shared>>
    tpu.enqueue_indirect_dma source(%dma_start3A_165 : memref<1000x128xf32, #tpu.memory_space<vmem_shared>>) target(%dma_start3A_159 : memref<128x128xf32, #tpu.memory_space<vmem>>) offsets(%dma_start3A_162 : memref<128xi32, #tpu.memory_space<vmem>>) semaphore(%arg9 : memref<!tpu.dma_semaphore, #tpu.memory_space<semaphore_mem>>)
    %dma_wait3A_166 = arith.constant 1 : i32
    %dma_wait3A_167 = arith.constant 1 : i32
    %dma_wait3A_168 = arith.constant 1 : i32
    %dma_wait3A_169 = arith.constant 0 : i32
    %dma_wait3A_170 = arith.constant 0 : i32
    %dma_wait3A_171 = tpu.memref_slice %arg7[%dma_wait3A_167, %dma_wait3A_168, %dma_wait3A_169, %dma_wait3A_170] : memref<3x2x128x128xf32, #tpu.memory_space<vmem>> -> memref<1x1x128x128xf32, #tpu.memory_space<vmem>>
    %dma_wait3A_172 = tpu.memref_squeeze %dma_wait3A_171 : memref<1x1x128x128xf32, #tpu.memory_space<vmem>> -> memref<128x128xf32, #tpu.memory_space<vmem>>
    %dma_wait3A_173 = arith.constant 0 : i32
    %dma_wait3A_174 = tpu.memref_slice %arg6[%dma_wait3A_166, %dma_wait3A_173] : memref<4x128xi32, #tpu.memory_space<vmem>> -> memref<1x128xi32, #tpu.memory_space<vmem>>
    %dma_wait3A_175 = tpu.memref_squeeze %dma_wait3A_174 : memref<1x128xi32, #tpu.memory_space<vmem>> -> memref<128xi32, #tpu.memory_space<vmem>>
    %dma_wait3A_176 = arith.constant 0 : i32
    %dma_wait3A_177 = arith.constant 0 : i32
    %dma_wait3A_178 = tpu.memref_slice %arg8[%dma_wait3A_176, %dma_wait3A_177] : memref<1000x128xf32, #tpu.memory_space<vmem_shared>> -> memref<1000x128xf32, #tpu.memory_space<vmem_shared>>
    tpu.wait_indirect_dma semaphore(%arg9 : memref<!tpu.dma_semaphore, #tpu.memory_space<semaphore_mem>>) src(%dma_wait3A_178 : memref<1000x128xf32, #tpu.memory_space<vmem_shared>>) dst(%dma_wait3A_172 : memref<128x128xf32, #tpu.memory_space<vmem>>)
    %dma_wait3A_179 = arith.constant 1 : i32
    %dma_wait3A_180 = arith.constant 0 : i32
    %dma_wait3A_181 = arith.constant 0 : i32
    %dma_wait3A_182 = arith.constant 0 : i32
    %dma_wait3A_183 = tpu.memref_slice %arg7[%dma_wait3A_179, %dma_wait3A_180, %dma_wait3A_181, %dma_wait3A_182] : memref<3x2x128x128xf32, #tpu.memory_space<vmem>> -> memref<1x1x128x128xf32, #tpu.memory_space<vmem>>
    %dma_wait3A_184 = tpu.memref_squeeze %dma_wait3A_183 : memref<1x1x128x128xf32, #tpu.memory_space<vmem>> -> memref<128x128xf32, #tpu.memory_space<vmem>>
    %dma_wait3A_185 = arith.constant 0 : i32
    %dma_wait3A_186 = tpu.memref_slice %arg2[%add3A_32, %dma_wait3A_185] : memref<16384x128xf32, #tpu.memory_space<hbm>> -> memref<128x128xf32, #tpu.memory_space<hbm>>
    %dma_wait3A_187 = arith.constant 0 : i32
    %dma_wait3A_188 = arith.constant 0 : i32
    %dma_wait3A_189 = tpu.memref_slice %arg7[%dma_wait3A_179, %dma_wait3A_180, %dma_wait3A_187, %dma_wait3A_188] : memref<3x2x128x128xf32, #tpu.memory_space<vmem>> -> memref<1x1x128x128xf32, #tpu.memory_space<vmem>>
    %dma_wait3A_190 = tpu.memref_squeeze %dma_wait3A_189 : memref<1x1x128x128xf32, #tpu.memory_space<vmem>> -> memref<128x128xf32, #tpu.memory_space<vmem>>
    %dma_wait3A_191 = arith.constant 0 : i32
    %dma_wait3A_192 = tpu.memref_slice %arg2[%add3A_32, %dma_wait3A_191] : memref<16384x128xf32, #tpu.memory_space<hbm>> -> memref<128x128xf32, #tpu.memory_space<hbm>>
    tpu.wait_dma2 semaphore(%arg10 : memref<!tpu.dma_semaphore, #tpu.memory_space<semaphore_mem>>) src(%dma_wait3A_192 : memref<128x128xf32, #tpu.memory_space<hbm>>) dst(%dma_wait3A_190 : memref<128x128xf32, #tpu.memory_space<vmem>>)
    %add3A_193 = arith.constant 128 : i32
    %add3A_194 = arith.addi %mul3A_2, %add3A_193 : i32
    %dma_start3A_195 = arith.constant 1 : i32
    %dma_start3A_196 = arith.constant 0 : i32
    %dma_start3A_197 = arith.constant 0 : i32
    %dma_start3A_198 = arith.constant 0 : i32
    %dma_start3A_199 = tpu.memref_slice %arg7[%dma_start3A_195, %dma_start3A_196, %dma_start3A_197, %dma_start3A_198] : memref<3x2x128x128xf32, #tpu.memory_space<vmem>> -> memref<1x1x128x128xf32, #tpu.memory_space<vmem>>
    %dma_start3A_200 = tpu.memref_squeeze %dma_start3A_199 : memref<1x1x128x128xf32, #tpu.memory_space<vmem>> -> memref<128x128xf32, #tpu.memory_space<vmem>>
    %dma_start3A_201 = arith.constant 0 : i32
    %dma_start3A_202 = tpu.memref_slice %arg5[%add3A_194, %dma_start3A_201] : memref<16384x256xf32, #tpu.memory_space<hbm>> -> memref<128x128xf32, #tpu.memory_space<hbm>>
    %dma_start3A_203 = arith.constant 0 : i32
    %dma_start3A_204 = tpu.memref_slice %arg5[%add3A_194, %dma_start3A_203] : memref<16384x256xf32, #tpu.memory_space<hbm>> -> memref<128x128xf32, #tpu.memory_space<hbm>>
    %dma_start3A_205 = arith.constant 0 : i32
    %dma_start3A_206 = arith.constant 0 : i32
    %dma_start3A_207 = tpu.memref_slice %arg7[%dma_start3A_195, %dma_start3A_196, %dma_start3A_205, %dma_start3A_206] : memref<3x2x128x128xf32, #tpu.memory_space<vmem>> -> memref<1x1x128x128xf32, #tpu.memory_space<vmem>>
    %dma_start3A_208 = tpu.memref_squeeze %dma_start3A_207 : memref<1x1x128x128xf32, #tpu.memory_space<vmem>> -> memref<128x128xf32, #tpu.memory_space<vmem>>
    tpu.enqueue_dma source(%dma_start3A_208 : memref<128x128xf32, #tpu.memory_space<vmem>>) target(%dma_start3A_204 : memref<128x128xf32, #tpu.memory_space<hbm>>) target_semaphore(%arg11 : memref<!tpu.dma_semaphore, #tpu.memory_space<semaphore_mem>>)
    %dma_start3A_209 = arith.constant 1 : i32
    %dma_start3A_210 = arith.constant 1 : i32
    %dma_start3A_211 = arith.constant 0 : i32
    %dma_start3A_212 = arith.constant 0 : i32
    %dma_start3A_213 = tpu.memref_slice %arg7[%dma_start3A_209, %dma_start3A_210, %dma_start3A_211, %dma_start3A_212] : memref<3x2x128x128xf32, #tpu.memory_space<vmem>> -> memref<1x1x128x128xf32, #tpu.memory_space<vmem>>
    %dma_start3A_214 = tpu.memref_squeeze %dma_start3A_213 : memref<1x1x128x128xf32, #tpu.memory_space<vmem>> -> memref<128x128xf32, #tpu.memory_space<vmem>>
    %dma_start3A_215 = arith.constant 128 : i32
    %dma_start3A_216 = tpu.memref_slice %arg5[%add3A_194, %dma_start3A_215] : memref<16384x256xf32, #tpu.memory_space<hbm>> -> memref<128x128xf32, #tpu.memory_space<hbm>>
    %dma_start3A_217 = arith.constant 128 : i32
    %dma_start3A_218 = tpu.memref_slice %arg5[%add3A_194, %dma_start3A_217] : memref<16384x256xf32, #tpu.memory_space<hbm>> -> memref<128x128xf32, #tpu.memory_space<hbm>>
    %dma_start3A_219 = arith.constant 0 : i32
    %dma_start3A_220 = arith.constant 0 : i32
    %dma_start3A_221 = tpu.memref_slice %arg7[%dma_start3A_209, %dma_start3A_210, %dma_start3A_219, %dma_start3A_220] : memref<3x2x128x128xf32, #tpu.memory_space<vmem>> -> memref<1x1x128x128xf32, #tpu.memory_space<vmem>>
    %dma_start3A_222 = tpu.memref_squeeze %dma_start3A_221 : memref<1x1x128x128xf32, #tpu.memory_space<vmem>> -> memref<128x128xf32, #tpu.memory_space<vmem>>
    tpu.enqueue_dma source(%dma_start3A_222 : memref<128x128xf32, #tpu.memory_space<vmem>>) target(%dma_start3A_218 : memref<128x128xf32, #tpu.memory_space<hbm>>) target_semaphore(%arg11 : memref<!tpu.dma_semaphore, #tpu.memory_space<semaphore_mem>>)
    %dma_wait3A_223 = arith.constant 0 : i32
    %dma_wait3A_224 = arith.constant 0 : i32
    %dma_wait3A_225 = arith.constant 0 : i32
    %dma_wait3A_226 = arith.constant 0 : i32
    %dma_wait3A_227 = tpu.memref_slice %arg7[%dma_wait3A_223, %dma_wait3A_224, %dma_wait3A_225, %dma_wait3A_226] : memref<3x2x128x128xf32, #tpu.memory_space<vmem>> -> memref<1x1x128x128xf32, #tpu.memory_space<vmem>>
    %dma_wait3A_228 = tpu.memref_squeeze %dma_wait3A_227 : memref<1x1x128x128xf32, #tpu.memory_space<vmem>> -> memref<128x128xf32, #tpu.memory_space<vmem>>
    %dma_wait3A_229 = arith.constant 0 : i32
    %dma_wait3A_230 = tpu.memref_slice %arg5[%add3A_124, %dma_wait3A_229] : memref<16384x256xf32, #tpu.memory_space<hbm>> -> memref<128x128xf32, #tpu.memory_space<hbm>>
    %dma_wait3A_231 = arith.constant 0 : i32
    %dma_wait3A_232 = tpu.memref_slice %arg5[%add3A_124, %dma_wait3A_231] : memref<16384x256xf32, #tpu.memory_space<hbm>> -> memref<128x128xf32, #tpu.memory_space<hbm>>
    %dma_wait3A_233 = arith.constant 0 : i32
    %dma_wait3A_234 = arith.constant 0 : i32
    %dma_wait3A_235 = tpu.memref_slice %arg7[%dma_wait3A_223, %dma_wait3A_224, %dma_wait3A_233, %dma_wait3A_234] : memref<3x2x128x128xf32, #tpu.memory_space<vmem>> -> memref<1x1x128x128xf32, #tpu.memory_space<vmem>>
    %dma_wait3A_236 = tpu.memref_squeeze %dma_wait3A_235 : memref<1x1x128x128xf32, #tpu.memory_space<vmem>> -> memref<128x128xf32, #tpu.memory_space<vmem>>
    tpu.wait_dma2 semaphore(%arg11 : memref<!tpu.dma_semaphore, #tpu.memory_space<semaphore_mem>>) src(%dma_wait3A_236 : memref<128x128xf32, #tpu.memory_space<vmem>>) dst(%dma_wait3A_232 : memref<128x128xf32, #tpu.memory_space<hbm>>)
    %dma_wait3A_237 = arith.constant 0 : i32
    %dma_wait3A_238 = arith.constant 1 : i32
    %dma_wait3A_239 = arith.constant 0 : i32
    %dma_wait3A_240 = arith.constant 0 : i32
    %dma_wait3A_241 = tpu.memref_slice %arg7[%dma_wait3A_237, %dma_wait3A_238, %dma_wait3A_239, %dma_wait3A_240] : memref<3x2x128x128xf32, #tpu.memory_space<vmem>> -> memref<1x1x128x128xf32, #tpu.memory_space<vmem>>
    %dma_wait3A_242 = tpu.memref_squeeze %dma_wait3A_241 : memref<1x1x128x128xf32, #tpu.memory_space<vmem>> -> memref<128x128xf32, #tpu.memory_space<vmem>>
    %dma_wait3A_243 = arith.constant 128 : i32
    %dma_wait3A_244 = tpu.memref_slice %arg5[%add3A_124, %dma_wait3A_243] : memref<16384x256xf32, #tpu.memory_space<hbm>> -> memref<128x128xf32, #tpu.memory_space<hbm>>
    %dma_wait3A_245 = arith.constant 128 : i32
    %dma_wait3A_246 = tpu.memref_slice %arg5[%add3A_124, %dma_wait3A_245] : memref<16384x256xf32, #tpu.memory_space<hbm>> -> memref<128x128xf32, #tpu.memory_space<hbm>>
    %dma_wait3A_247 = arith.constant 0 : i32
    %dma_wait3A_248 = arith.constant 0 : i32
    %dma_wait3A_249 = tpu.memref_slice %arg7[%dma_wait3A_237, %dma_wait3A_238, %dma_wait3A_247, %dma_wait3A_248] : memref<3x2x128x128xf32, #tpu.memory_space<vmem>> -> memref<1x1x128x128xf32, #tpu.memory_space<vmem>>
    %dma_wait3A_250 = tpu.memref_squeeze %dma_wait3A_249 : memref<1x1x128x128xf32, #tpu.memory_space<vmem>> -> memref<128x128xf32, #tpu.memory_space<vmem>>
    tpu.wait_dma2 semaphore(%arg11 : memref<!tpu.dma_semaphore, #tpu.memory_space<semaphore_mem>>) src(%dma_wait3A_250 : memref<128x128xf32, #tpu.memory_space<vmem>>) dst(%dma_wait3A_246 : memref<128x128xf32, #tpu.memory_space<hbm>>)
    %add3A_251 = arith.constant 384 : i32
    %add3A_252 = arith.addi %mul3A_2, %add3A_251 : i32
    %dma_start3A_253 = arith.constant 0 : i32
    %dma_start3A_254 = arith.constant 0 : i32
    %dma_start3A_255 = arith.constant 0 : i32
    %dma_start3A_256 = arith.constant 0 : i32
    %dma_start3A_257 = tpu.memref_slice %arg7[%dma_start3A_253, %dma_start3A_254, %dma_start3A_255, %dma_start3A_256] : memref<3x2x128x128xf32, #tpu.memory_space<vmem>> -> memref<1x1x128x128xf32, #tpu.memory_space<vmem>>
    %dma_start3A_258 = tpu.memref_squeeze %dma_start3A_257 : memref<1x1x128x128xf32, #tpu.memory_space<vmem>> -> memref<128x128xf32, #tpu.memory_space<vmem>>
    %dma_start3A_259 = arith.constant 0 : i32
    %dma_start3A_260 = tpu.memref_slice %arg2[%add3A_252, %dma_start3A_259] : memref<16384x128xf32, #tpu.memory_space<hbm>> -> memref<128x128xf32, #tpu.memory_space<hbm>>
    %dma_start3A_261 = arith.constant 0 : i32
    %dma_start3A_262 = arith.constant 0 : i32
    %dma_start3A_263 = tpu.memref_slice %arg7[%dma_start3A_253, %dma_start3A_254, %dma_start3A_261, %dma_start3A_262] : memref<3x2x128x128xf32, #tpu.memory_space<vmem>> -> memref<1x1x128x128xf32, #tpu.memory_space<vmem>>
    %dma_start3A_264 = tpu.memref_squeeze %dma_start3A_263 : memref<1x1x128x128xf32, #tpu.memory_space<vmem>> -> memref<128x128xf32, #tpu.memory_space<vmem>>
    %dma_start3A_265 = arith.constant 0 : i32
    %dma_start3A_266 = tpu.memref_slice %arg2[%add3A_252, %dma_start3A_265] : memref<16384x128xf32, #tpu.memory_space<hbm>> -> memref<128x128xf32, #tpu.memory_space<hbm>>
    tpu.enqueue_dma source(%dma_start3A_266 : memref<128x128xf32, #tpu.memory_space<hbm>>) target(%dma_start3A_264 : memref<128x128xf32, #tpu.memory_space<vmem>>) target_semaphore(%arg10 : memref<!tpu.dma_semaphore, #tpu.memory_space<semaphore_mem>>)
    %dma_start3A_267 = arith.constant 3 : i32
    %dma_start3A_268 = arith.constant 0 : i32
    %dma_start3A_269 = arith.constant 1 : i32
    %dma_start3A_270 = arith.constant 0 : i32
    %dma_start3A_271 = arith.constant 0 : i32
    %dma_start3A_272 = tpu.memref_slice %arg7[%dma_start3A_268, %dma_start3A_269, %dma_start3A_270, %dma_start3A_271] : memref<3x2x128x128xf32, #tpu.memory_space<vmem>> -> memref<1x1x128x128xf32, #tpu.memory_space<vmem>>
    %dma_start3A_273 = tpu.memref_squeeze %dma_start3A_272 : memref<1x1x128x128xf32, #tpu.memory_space<vmem>> -> memref<128x128xf32, #tpu.memory_space<vmem>>
    %dma_start3A_274 = arith.constant 0 : i32
    %dma_start3A_275 = tpu.memref_slice %arg6[%dma_start3A_267, %dma_start3A_274] : memref<4x128xi32, #tpu.memory_space<vmem>> -> memref<1x128xi32, #tpu.memory_space<vmem>>
    %dma_start3A_276 = tpu.memref_squeeze %dma_start3A_275 : memref<1x128xi32, #tpu.memory_space<vmem>> -> memref<128xi32, #tpu.memory_space<vmem>>
    %dma_start3A_277 = arith.constant 0 : i32
    %dma_start3A_278 = arith.constant 0 : i32
    %dma_start3A_279 = tpu.memref_slice %arg8[%dma_start3A_277, %dma_start3A_278] : memref<1000x128xf32, #tpu.memory_space<vmem_shared>> -> memref<1000x128xf32, #tpu.memory_space<vmem_shared>>
    tpu.enqueue_indirect_dma source(%dma_start3A_279 : memref<1000x128xf32, #tpu.memory_space<vmem_shared>>) target(%dma_start3A_273 : memref<128x128xf32, #tpu.memory_space<vmem>>) offsets(%dma_start3A_276 : memref<128xi32, #tpu.memory_space<vmem>>) semaphore(%arg9 : memref<!tpu.dma_semaphore, #tpu.memory_space<semaphore_mem>>)
    %dma_wait3A_280 = arith.constant 2 : i32
    %dma_wait3A_281 = arith.constant 2 : i32
    %dma_wait3A_282 = arith.constant 1 : i32
    %dma_wait3A_283 = arith.constant 0 : i32
    %dma_wait3A_284 = arith.constant 0 : i32
    %dma_wait3A_285 = tpu.memref_slice %arg7[%dma_wait3A_281, %dma_wait3A_282, %dma_wait3A_283, %dma_wait3A_284] : memref<3x2x128x128xf32, #tpu.memory_space<vmem>> -> memref<1x1x128x128xf32, #tpu.memory_space<vmem>>
    %dma_wait3A_286 = tpu.memref_squeeze %dma_wait3A_285 : memref<1x1x128x128xf32, #tpu.memory_space<vmem>> -> memref<128x128xf32, #tpu.memory_space<vmem>>
    %dma_wait3A_287 = arith.constant 0 : i32
    %dma_wait3A_288 = tpu.memref_slice %arg6[%dma_wait3A_280, %dma_wait3A_287] : memref<4x128xi32, #tpu.memory_space<vmem>> -> memref<1x128xi32, #tpu.memory_space<vmem>>
    %dma_wait3A_289 = tpu.memref_squeeze %dma_wait3A_288 : memref<1x128xi32, #tpu.memory_space<vmem>> -> memref<128xi32, #tpu.memory_space<vmem>>
    %dma_wait3A_290 = arith.constant 0 : i32
    %dma_wait3A_291 = arith.constant 0 : i32
    %dma_wait3A_292 = tpu.memref_slice %arg8[%dma_wait3A_290, %dma_wait3A_291] : memref<1000x128xf32, #tpu.memory_space<vmem_shared>> -> memref<1000x128xf32, #tpu.memory_space<vmem_shared>>
    tpu.wait_indirect_dma semaphore(%arg9 : memref<!tpu.dma_semaphore, #tpu.memory_space<semaphore_mem>>) src(%dma_wait3A_292 : memref<1000x128xf32, #tpu.memory_space<vmem_shared>>) dst(%dma_wait3A_286 : memref<128x128xf32, #tpu.memory_space<vmem>>)
    %dma_wait3A_293 = arith.constant 2 : i32
    %dma_wait3A_294 = arith.constant 0 : i32
    %dma_wait3A_295 = arith.constant 0 : i32
    %dma_wait3A_296 = arith.constant 0 : i32
    %dma_wait3A_297 = tpu.memref_slice %arg7[%dma_wait3A_293, %dma_wait3A_294, %dma_wait3A_295, %dma_wait3A_296] : memref<3x2x128x128xf32, #tpu.memory_space<vmem>> -> memref<1x1x128x128xf32, #tpu.memory_space<vmem>>
    %dma_wait3A_298 = tpu.memref_squeeze %dma_wait3A_297 : memref<1x1x128x128xf32, #tpu.memory_space<vmem>> -> memref<128x128xf32, #tpu.memory_space<vmem>>
    %dma_wait3A_299 = arith.constant 0 : i32
    %dma_wait3A_300 = tpu.memref_slice %arg2[%add3A_48, %dma_wait3A_299] : memref<16384x128xf32, #tpu.memory_space<hbm>> -> memref<128x128xf32, #tpu.memory_space<hbm>>
    %dma_wait3A_301 = arith.constant 0 : i32
    %dma_wait3A_302 = arith.constant 0 : i32
    %dma_wait3A_303 = tpu.memref_slice %arg7[%dma_wait3A_293, %dma_wait3A_294, %dma_wait3A_301, %dma_wait3A_302] : memref<3x2x128x128xf32, #tpu.memory_space<vmem>> -> memref<1x1x128x128xf32, #tpu.memory_space<vmem>>
    %dma_wait3A_304 = tpu.memref_squeeze %dma_wait3A_303 : memref<1x1x128x128xf32, #tpu.memory_space<vmem>> -> memref<128x128xf32, #tpu.memory_space<vmem>>
    %dma_wait3A_305 = arith.constant 0 : i32
    %dma_wait3A_306 = tpu.memref_slice %arg2[%add3A_48, %dma_wait3A_305] : memref<16384x128xf32, #tpu.memory_space<hbm>> -> memref<128x128xf32, #tpu.memory_space<hbm>>
    tpu.wait_dma2 semaphore(%arg10 : memref<!tpu.dma_semaphore, #tpu.memory_space<semaphore_mem>>) src(%dma_wait3A_306 : memref<128x128xf32, #tpu.memory_space<hbm>>) dst(%dma_wait3A_304 : memref<128x128xf32, #tpu.memory_space<vmem>>)
    %add3A_307 = arith.constant 256 : i32
    %add3A_308 = arith.addi %mul3A_2, %add3A_307 : i32
    %dma_start3A_309 = arith.constant 2 : i32
    %dma_start3A_310 = arith.constant 0 : i32
    %dma_start3A_311 = arith.constant 0 : i32
    %dma_start3A_312 = arith.constant 0 : i32
    %dma_start3A_313 = tpu.memref_slice %arg7[%dma_start3A_309, %dma_start3A_310, %dma_start3A_311, %dma_start3A_312] : memref<3x2x128x128xf32, #tpu.memory_space<vmem>> -> memref<1x1x128x128xf32, #tpu.memory_space<vmem>>
    %dma_start3A_314 = tpu.memref_squeeze %dma_start3A_313 : memref<1x1x128x128xf32, #tpu.memory_space<vmem>> -> memref<128x128xf32, #tpu.memory_space<vmem>>
    %dma_start3A_315 = arith.constant 0 : i32
    %dma_start3A_316 = tpu.memref_slice %arg5[%add3A_308, %dma_start3A_315] : memref<16384x256xf32, #tpu.memory_space<hbm>> -> memref<128x128xf32, #tpu.memory_space<hbm>>
    %dma_start3A_317 = arith.constant 0 : i32
    %dma_start3A_318 = tpu.memref_slice %arg5[%add3A_308, %dma_start3A_317] : memref<16384x256xf32, #tpu.memory_space<hbm>> -> memref<128x128xf32, #tpu.memory_space<hbm>>
    %dma_start3A_319 = arith.constant 0 : i32
    %dma_start3A_320 = arith.constant 0 : i32
    %dma_start3A_321 = tpu.memref_slice %arg7[%dma_start3A_309, %dma_start3A_310, %dma_start3A_319, %dma_start3A_320] : memref<3x2x128x128xf32, #tpu.memory_space<vmem>> -> memref<1x1x128x128xf32, #tpu.memory_space<vmem>>
    %dma_start3A_322 = tpu.memref_squeeze %dma_start3A_321 : memref<1x1x128x128xf32, #tpu.memory_space<vmem>> -> memref<128x128xf32, #tpu.memory_space<vmem>>
    tpu.enqueue_dma source(%dma_start3A_322 : memref<128x128xf32, #tpu.memory_space<vmem>>) target(%dma_start3A_318 : memref<128x128xf32, #tpu.memory_space<hbm>>) target_semaphore(%arg11 : memref<!tpu.dma_semaphore, #tpu.memory_space<semaphore_mem>>)
    %dma_start3A_323 = arith.constant 2 : i32
    %dma_start3A_324 = arith.constant 1 : i32
    %dma_start3A_325 = arith.constant 0 : i32
    %dma_start3A_326 = arith.constant 0 : i32
    %dma_start3A_327 = tpu.memref_slice %arg7[%dma_start3A_323, %dma_start3A_324, %dma_start3A_325, %dma_start3A_326] : memref<3x2x128x128xf32, #tpu.memory_space<vmem>> -> memref<1x1x128x128xf32, #tpu.memory_space<vmem>>
    %dma_start3A_328 = tpu.memref_squeeze %dma_start3A_327 : memref<1x1x128x128xf32, #tpu.memory_space<vmem>> -> memref<128x128xf32, #tpu.memory_space<vmem>>
    %dma_start3A_329 = arith.constant 128 : i32
    %dma_start3A_330 = tpu.memref_slice %arg5[%add3A_308, %dma_start3A_329] : memref<16384x256xf32, #tpu.memory_space<hbm>> -> memref<128x128xf32, #tpu.memory_space<hbm>>
    %dma_start3A_331 = arith.constant 128 : i32
    %dma_start3A_332 = tpu.memref_slice %arg5[%add3A_308, %dma_start3A_331] : memref<16384x256xf32, #tpu.memory_space<hbm>> -> memref<128x128xf32, #tpu.memory_space<hbm>>
    %dma_start3A_333 = arith.constant 0 : i32
    %dma_start3A_334 = arith.constant 0 : i32
    %dma_start3A_335 = tpu.memref_slice %arg7[%dma_start3A_323, %dma_start3A_324, %dma_start3A_333, %dma_start3A_334] : memref<3x2x128x128xf32, #tpu.memory_space<vmem>> -> memref<1x1x128x128xf32, #tpu.memory_space<vmem>>
    %dma_start3A_336 = tpu.memref_squeeze %dma_start3A_335 : memref<1x1x128x128xf32, #tpu.memory_space<vmem>> -> memref<128x128xf32, #tpu.memory_space<vmem>>
    tpu.enqueue_dma source(%dma_start3A_336 : memref<128x128xf32, #tpu.memory_space<vmem>>) target(%dma_start3A_332 : memref<128x128xf32, #tpu.memory_space<hbm>>) target_semaphore(%arg11 : memref<!tpu.dma_semaphore, #tpu.memory_space<semaphore_mem>>)
    %dma_wait3A_337 = arith.constant 3 : i32
    %dma_wait3A_338 = arith.constant 0 : i32
    %dma_wait3A_339 = arith.constant 1 : i32
    %dma_wait3A_340 = arith.constant 0 : i32
    %dma_wait3A_341 = arith.constant 0 : i32
    %dma_wait3A_342 = tpu.memref_slice %arg7[%dma_wait3A_338, %dma_wait3A_339, %dma_wait3A_340, %dma_wait3A_341] : memref<3x2x128x128xf32, #tpu.memory_space<vmem>> -> memref<1x1x128x128xf32, #tpu.memory_space<vmem>>
    %dma_wait3A_343 = tpu.memref_squeeze %dma_wait3A_342 : memref<1x1x128x128xf32, #tpu.memory_space<vmem>> -> memref<128x128xf32, #tpu.memory_space<vmem>>
    %dma_wait3A_344 = arith.constant 0 : i32
    %dma_wait3A_345 = tpu.memref_slice %arg6[%dma_wait3A_337, %dma_wait3A_344] : memref<4x128xi32, #tpu.memory_space<vmem>> -> memref<1x128xi32, #tpu.memory_space<vmem>>
    %dma_wait3A_346 = tpu.memref_squeeze %dma_wait3A_345 : memref<1x128xi32, #tpu.memory_space<vmem>> -> memref<128xi32, #tpu.memory_space<vmem>>
    %dma_wait3A_347 = arith.constant 0 : i32
    %dma_wait3A_348 = arith.constant 0 : i32
    %dma_wait3A_349 = tpu.memref_slice %arg8[%dma_wait3A_347, %dma_wait3A_348] : memref<1000x128xf32, #tpu.memory_space<vmem_shared>> -> memref<1000x128xf32, #tpu.memory_space<vmem_shared>>
    tpu.wait_indirect_dma semaphore(%arg9 : memref<!tpu.dma_semaphore, #tpu.memory_space<semaphore_mem>>) src(%dma_wait3A_349 : memref<1000x128xf32, #tpu.memory_space<vmem_shared>>) dst(%dma_wait3A_343 : memref<128x128xf32, #tpu.memory_space<vmem>>)
    %dma_wait3A_350 = arith.constant 0 : i32
    %dma_wait3A_351 = arith.constant 0 : i32
    %dma_wait3A_352 = arith.constant 0 : i32
    %dma_wait3A_353 = arith.constant 0 : i32
    %dma_wait3A_354 = tpu.memref_slice %arg7[%dma_wait3A_350, %dma_wait3A_351, %dma_wait3A_352, %dma_wait3A_353] : memref<3x2x128x128xf32, #tpu.memory_space<vmem>> -> memref<1x1x128x128xf32, #tpu.memory_space<vmem>>
    %dma_wait3A_355 = tpu.memref_squeeze %dma_wait3A_354 : memref<1x1x128x128xf32, #tpu.memory_space<vmem>> -> memref<128x128xf32, #tpu.memory_space<vmem>>
    %dma_wait3A_356 = arith.constant 0 : i32
    %dma_wait3A_357 = tpu.memref_slice %arg2[%add3A_252, %dma_wait3A_356] : memref<16384x128xf32, #tpu.memory_space<hbm>> -> memref<128x128xf32, #tpu.memory_space<hbm>>
    %dma_wait3A_358 = arith.constant 0 : i32
    %dma_wait3A_359 = arith.constant 0 : i32
    %dma_wait3A_360 = tpu.memref_slice %arg7[%dma_wait3A_350, %dma_wait3A_351, %dma_wait3A_358, %dma_wait3A_359] : memref<3x2x128x128xf32, #tpu.memory_space<vmem>> -> memref<1x1x128x128xf32, #tpu.memory_space<vmem>>
    %dma_wait3A_361 = tpu.memref_squeeze %dma_wait3A_360 : memref<1x1x128x128xf32, #tpu.memory_space<vmem>> -> memref<128x128xf32, #tpu.memory_space<vmem>>
    %dma_wait3A_362 = arith.constant 0 : i32
    %dma_wait3A_363 = tpu.memref_slice %arg2[%add3A_252, %dma_wait3A_362] : memref<16384x128xf32, #tpu.memory_space<hbm>> -> memref<128x128xf32, #tpu.memory_space<hbm>>
    tpu.wait_dma2 semaphore(%arg10 : memref<!tpu.dma_semaphore, #tpu.memory_space<semaphore_mem>>) src(%dma_wait3A_363 : memref<128x128xf32, #tpu.memory_space<hbm>>) dst(%dma_wait3A_361 : memref<128x128xf32, #tpu.memory_space<vmem>>)
    %add3A_364 = arith.constant 384 : i32
    %add3A_365 = arith.addi %mul3A_2, %add3A_364 : i32
    %dma_start3A_366 = arith.constant 0 : i32
    %dma_start3A_367 = arith.constant 0 : i32
    %dma_start3A_368 = arith.constant 0 : i32
    %dma_start3A_369 = arith.constant 0 : i32
    %dma_start3A_370 = tpu.memref_slice %arg7[%dma_start3A_366, %dma_start3A_367, %dma_start3A_368, %dma_start3A_369] : memref<3x2x128x128xf32, #tpu.memory_space<vmem>> -> memref<1x1x128x128xf32, #tpu.memory_space<vmem>>
    %dma_start3A_371 = tpu.memref_squeeze %dma_start3A_370 : memref<1x1x128x128xf32, #tpu.memory_space<vmem>> -> memref<128x128xf32, #tpu.memory_space<vmem>>
    %dma_start3A_372 = arith.constant 0 : i32
    %dma_start3A_373 = tpu.memref_slice %arg5[%add3A_365, %dma_start3A_372] : memref<16384x256xf32, #tpu.memory_space<hbm>> -> memref<128x128xf32, #tpu.memory_space<hbm>>
    %dma_start3A_374 = arith.constant 0 : i32
    %dma_start3A_375 = tpu.memref_slice %arg5[%add3A_365, %dma_start3A_374] : memref<16384x256xf32, #tpu.memory_space<hbm>> -> memref<128x128xf32, #tpu.memory_space<hbm>>
    %dma_start3A_376 = arith.constant 0 : i32
    %dma_start3A_377 = arith.constant 0 : i32
    %dma_start3A_378 = tpu.memref_slice %arg7[%dma_start3A_366, %dma_start3A_367, %dma_start3A_376, %dma_start3A_377] : memref<3x2x128x128xf32, #tpu.memory_space<vmem>> -> memref<1x1x128x128xf32, #tpu.memory_space<vmem>>
    %dma_start3A_379 = tpu.memref_squeeze %dma_start3A_378 : memref<1x1x128x128xf32, #tpu.memory_space<vmem>> -> memref<128x128xf32, #tpu.memory_space<vmem>>
    tpu.enqueue_dma source(%dma_start3A_379 : memref<128x128xf32, #tpu.memory_space<vmem>>) target(%dma_start3A_375 : memref<128x128xf32, #tpu.memory_space<hbm>>) target_semaphore(%arg11 : memref<!tpu.dma_semaphore, #tpu.memory_space<semaphore_mem>>)
    %dma_start3A_380 = arith.constant 0 : i32
    %dma_start3A_381 = arith.constant 1 : i32
    %dma_start3A_382 = arith.constant 0 : i32
    %dma_start3A_383 = arith.constant 0 : i32
    %dma_start3A_384 = tpu.memref_slice %arg7[%dma_start3A_380, %dma_start3A_381, %dma_start3A_382, %dma_start3A_383] : memref<3x2x128x128xf32, #tpu.memory_space<vmem>> -> memref<1x1x128x128xf32, #tpu.memory_space<vmem>>
    %dma_start3A_385 = tpu.memref_squeeze %dma_start3A_384 : memref<1x1x128x128xf32, #tpu.memory_space<vmem>> -> memref<128x128xf32, #tpu.memory_space<vmem>>
    %dma_start3A_386 = arith.constant 128 : i32
    %dma_start3A_387 = tpu.memref_slice %arg5[%add3A_365, %dma_start3A_386] : memref<16384x256xf32, #tpu.memory_space<hbm>> -> memref<128x128xf32, #tpu.memory_space<hbm>>
    %dma_start3A_388 = arith.constant 128 : i32
    %dma_start3A_389 = tpu.memref_slice %arg5[%add3A_365, %dma_start3A_388] : memref<16384x256xf32, #tpu.memory_space<hbm>> -> memref<128x128xf32, #tpu.memory_space<hbm>>
    %dma_start3A_390 = arith.constant 0 : i32
    %dma_start3A_391 = arith.constant 0 : i32
    %dma_start3A_392 = tpu.memref_slice %arg7[%dma_start3A_380, %dma_start3A_381, %dma_start3A_390, %dma_start3A_391] : memref<3x2x128x128xf32, #tpu.memory_space<vmem>> -> memref<1x1x128x128xf32, #tpu.memory_space<vmem>>
    %dma_start3A_393 = tpu.memref_squeeze %dma_start3A_392 : memref<1x1x128x128xf32, #tpu.memory_space<vmem>> -> memref<128x128xf32, #tpu.memory_space<vmem>>
    tpu.enqueue_dma source(%dma_start3A_393 : memref<128x128xf32, #tpu.memory_space<vmem>>) target(%dma_start3A_389 : memref<128x128xf32, #tpu.memory_space<hbm>>) target_semaphore(%arg11 : memref<!tpu.dma_semaphore, #tpu.memory_space<semaphore_mem>>)
    %dma_wait3A_394 = arith.constant 1 : i32
    %dma_wait3A_395 = arith.constant 0 : i32
    %dma_wait3A_396 = arith.constant 0 : i32
    %dma_wait3A_397 = arith.constant 0 : i32
    %dma_wait3A_398 = tpu.memref_slice %arg7[%dma_wait3A_394, %dma_wait3A_395, %dma_wait3A_396, %dma_wait3A_397] : memref<3x2x128x128xf32, #tpu.memory_space<vmem>> -> memref<1x1x128x128xf32, #tpu.memory_space<vmem>>
    %dma_wait3A_399 = tpu.memref_squeeze %dma_wait3A_398 : memref<1x1x128x128xf32, #tpu.memory_space<vmem>> -> memref<128x128xf32, #tpu.memory_space<vmem>>
    %dma_wait3A_400 = arith.constant 0 : i32
    %dma_wait3A_401 = tpu.memref_slice %arg5[%add3A_194, %dma_wait3A_400] : memref<16384x256xf32, #tpu.memory_space<hbm>> -> memref<128x128xf32, #tpu.memory_space<hbm>>
    %dma_wait3A_402 = arith.constant 0 : i32
    %dma_wait3A_403 = tpu.memref_slice %arg5[%add3A_194, %dma_wait3A_402] : memref<16384x256xf32, #tpu.memory_space<hbm>> -> memref<128x128xf32, #tpu.memory_space<hbm>>
    %dma_wait3A_404 = arith.constant 0 : i32
    %dma_wait3A_405 = arith.constant 0 : i32
    %dma_wait3A_406 = tpu.memref_slice %arg7[%dma_wait3A_394, %dma_wait3A_395, %dma_wait3A_404, %dma_wait3A_405] : memref<3x2x128x128xf32, #tpu.memory_space<vmem>> -> memref<1x1x128x128xf32, #tpu.memory_space<vmem>>
    %dma_wait3A_407 = tpu.memref_squeeze %dma_wait3A_406 : memref<1x1x128x128xf32, #tpu.memory_space<vmem>> -> memref<128x128xf32, #tpu.memory_space<vmem>>
    tpu.wait_dma2 semaphore(%arg11 : memref<!tpu.dma_semaphore, #tpu.memory_space<semaphore_mem>>) src(%dma_wait3A_407 : memref<128x128xf32, #tpu.memory_space<vmem>>) dst(%dma_wait3A_403 : memref<128x128xf32, #tpu.memory_space<hbm>>)
    %dma_wait3A_408 = arith.constant 1 : i32
    %dma_wait3A_409 = arith.constant 1 : i32
    %dma_wait3A_410 = arith.constant 0 : i32
    %dma_wait3A_411 = arith.constant 0 : i32
    %dma_wait3A_412 = tpu.memref_slice %arg7[%dma_wait3A_408, %dma_wait3A_409, %dma_wait3A_410, %dma_wait3A_411] : memref<3x2x128x128xf32, #tpu.memory_space<vmem>> -> memref<1x1x128x128xf32, #tpu.memory_space<vmem>>
    %dma_wait3A_413 = tpu.memref_squeeze %dma_wait3A_412 : memref<1x1x128x128xf32, #tpu.memory_space<vmem>> -> memref<128x128xf32, #tpu.memory_space<vmem>>
    %dma_wait3A_414 = arith.constant 128 : i32
    %dma_wait3A_415 = tpu.memref_slice %arg5[%add3A_194, %dma_wait3A_414] : memref<16384x256xf32, #tpu.memory_space<hbm>> -> memref<128x128xf32, #tpu.memory_space<hbm>>
    %dma_wait3A_416 = arith.constant 128 : i32
    %dma_wait3A_417 = tpu.memref_slice %arg5[%add3A_194, %dma_wait3A_416] : memref<16384x256xf32, #tpu.memory_space<hbm>> -> memref<128x128xf32, #tpu.memory_space<hbm>>
    %dma_wait3A_418 = arith.constant 0 : i32
    %dma_wait3A_419 = arith.constant 0 : i32
    %dma_wait3A_420 = tpu.memref_slice %arg7[%dma_wait3A_408, %dma_wait3A_409, %dma_wait3A_418, %dma_wait3A_419] : memref<3x2x128x128xf32, #tpu.memory_space<vmem>> -> memref<1x1x128x128xf32, #tpu.memory_space<vmem>>
    %dma_wait3A_421 = tpu.memref_squeeze %dma_wait3A_420 : memref<1x1x128x128xf32, #tpu.memory_space<vmem>> -> memref<128x128xf32, #tpu.memory_space<vmem>>
    tpu.wait_dma2 semaphore(%arg11 : memref<!tpu.dma_semaphore, #tpu.memory_space<semaphore_mem>>) src(%dma_wait3A_421 : memref<128x128xf32, #tpu.memory_space<vmem>>) dst(%dma_wait3A_417 : memref<128x128xf32, #tpu.memory_space<hbm>>)
    %dma_wait3A_422 = arith.constant 2 : i32
    %dma_wait3A_423 = arith.constant 0 : i32
    %dma_wait3A_424 = arith.constant 0 : i32
    %dma_wait3A_425 = arith.constant 0 : i32
    %dma_wait3A_426 = tpu.memref_slice %arg7[%dma_wait3A_422, %dma_wait3A_423, %dma_wait3A_424, %dma_wait3A_425] : memref<3x2x128x128xf32, #tpu.memory_space<vmem>> -> memref<1x1x128x128xf32, #tpu.memory_space<vmem>>
    %dma_wait3A_427 = tpu.memref_squeeze %dma_wait3A_426 : memref<1x1x128x128xf32, #tpu.memory_space<vmem>> -> memref<128x128xf32, #tpu.memory_space<vmem>>
    %dma_wait3A_428 = arith.constant 0 : i32
    %dma_wait3A_429 = tpu.memref_slice %arg5[%add3A_308, %dma_wait3A_428] : memref<16384x256xf32, #tpu.memory_space<hbm>> -> memref<128x128xf32, #tpu.memory_space<hbm>>
    %dma_wait3A_430 = arith.constant 0 : i32
    %dma_wait3A_431 = tpu.memref_slice %arg5[%add3A_308, %dma_wait3A_430] : memref<16384x256xf32, #tpu.memory_space<hbm>> -> memref<128x128xf32, #tpu.memory_space<hbm>>
    %dma_wait3A_432 = arith.constant 0 : i32
    %dma_wait3A_433 = arith.constant 0 : i32
    %dma_wait3A_434 = tpu.memref_slice %arg7[%dma_wait3A_422, %dma_wait3A_423, %dma_wait3A_432, %dma_wait3A_433] : memref<3x2x128x128xf32, #tpu.memory_space<vmem>> -> memref<1x1x128x128xf32, #tpu.memory_space<vmem>>
    %dma_wait3A_435 = tpu.memref_squeeze %dma_wait3A_434 : memref<1x1x128x128xf32, #tpu.memory_space<vmem>> -> memref<128x128xf32, #tpu.memory_space<vmem>>
    tpu.wait_dma2 semaphore(%arg11 : memref<!tpu.dma_semaphore, #tpu.memory_space<semaphore_mem>>) src(%dma_wait3A_435 : memref<128x128xf32, #tpu.memory_space<vmem>>) dst(%dma_wait3A_431 : memref<128x128xf32, #tpu.memory_space<hbm>>)
    %dma_wait3A_436 = arith.constant 2 : i32
    %dma_wait3A_437 = arith.constant 1 : i32
    %dma_wait3A_438 = arith.constant 0 : i32
    %dma_wait3A_439 = arith.constant 0 : i32
    %dma_wait3A_440 = tpu.memref_slice %arg7[%dma_wait3A_436, %dma_wait3A_437, %dma_wait3A_438, %dma_wait3A_439] : memref<3x2x128x128xf32, #tpu.memory_space<vmem>> -> memref<1x1x128x128xf32, #tpu.memory_space<vmem>>
    %dma_wait3A_441 = tpu.memref_squeeze %dma_wait3A_440 : memref<1x1x128x128xf32, #tpu.memory_space<vmem>> -> memref<128x128xf32, #tpu.memory_space<vmem>>
    %dma_wait3A_442 = arith.constant 128 : i32
    %dma_wait3A_443 = tpu.memref_slice %arg5[%add3A_308, %dma_wait3A_442] : memref<16384x256xf32, #tpu.memory_space<hbm>> -> memref<128x128xf32, #tpu.memory_space<hbm>>
    %dma_wait3A_444 = arith.constant 128 : i32
    %dma_wait3A_445 = tpu.memref_slice %arg5[%add3A_308, %dma_wait3A_444] : memref<16384x256xf32, #tpu.memory_space<hbm>> -> memref<128x128xf32, #tpu.memory_space<hbm>>
    %dma_wait3A_446 = arith.constant 0 : i32
    %dma_wait3A_447 = arith.constant 0 : i32
    %dma_wait3A_448 = tpu.memref_slice %arg7[%dma_wait3A_436, %dma_wait3A_437, %dma_wait3A_446, %dma_wait3A_447] : memref<3x2x128x128xf32, #tpu.memory_space<vmem>> -> memref<1x1x128x128xf32, #tpu.memory_space<vmem>>
    %dma_wait3A_449 = tpu.memref_squeeze %dma_wait3A_448 : memref<1x1x128x128xf32, #tpu.memory_space<vmem>> -> memref<128x128xf32, #tpu.memory_space<vmem>>
    tpu.wait_dma2 semaphore(%arg11 : memref<!tpu.dma_semaphore, #tpu.memory_space<semaphore_mem>>) src(%dma_wait3A_449 : memref<128x128xf32, #tpu.memory_space<vmem>>) dst(%dma_wait3A_445 : memref<128x128xf32, #tpu.memory_space<hbm>>)
    %dma_wait3A_450 = arith.constant 0 : i32
    %dma_wait3A_451 = arith.constant 0 : i32
    %dma_wait3A_452 = arith.constant 0 : i32
    %dma_wait3A_453 = arith.constant 0 : i32
    %dma_wait3A_454 = tpu.memref_slice %arg7[%dma_wait3A_450, %dma_wait3A_451, %dma_wait3A_452, %dma_wait3A_453] : memref<3x2x128x128xf32, #tpu.memory_space<vmem>> -> memref<1x1x128x128xf32, #tpu.memory_space<vmem>>
    %dma_wait3A_455 = tpu.memref_squeeze %dma_wait3A_454 : memref<1x1x128x128xf32, #tpu.memory_space<vmem>> -> memref<128x128xf32, #tpu.memory_space<vmem>>
    %dma_wait3A_456 = arith.constant 0 : i32
    %dma_wait3A_457 = tpu.memref_slice %arg5[%add3A_365, %dma_wait3A_456] : memref<16384x256xf32, #tpu.memory_space<hbm>> -> memref<128x128xf32, #tpu.memory_space<hbm>>
    %dma_wait3A_458 = arith.constant 0 : i32
    %dma_wait3A_459 = tpu.memref_slice %arg5[%add3A_365, %dma_wait3A_458] : memref<16384x256xf32, #tpu.memory_space<hbm>> -> memref<128x128xf32, #tpu.memory_space<hbm>>
    %dma_wait3A_460 = arith.constant 0 : i32
    %dma_wait3A_461 = arith.constant 0 : i32
    %dma_wait3A_462 = tpu.memref_slice %arg7[%dma_wait3A_450, %dma_wait3A_451, %dma_wait3A_460, %dma_wait3A_461] : memref<3x2x128x128xf32, #tpu.memory_space<vmem>> -> memref<1x1x128x128xf32, #tpu.memory_space<vmem>>
    %dma_wait3A_463 = tpu.memref_squeeze %dma_wait3A_462 : memref<1x1x128x128xf32, #tpu.memory_space<vmem>> -> memref<128x128xf32, #tpu.memory_space<vmem>>
    tpu.wait_dma2 semaphore(%arg11 : memref<!tpu.dma_semaphore, #tpu.memory_space<semaphore_mem>>) src(%dma_wait3A_463 : memref<128x128xf32, #tpu.memory_space<vmem>>) dst(%dma_wait3A_459 : memref<128x128xf32, #tpu.memory_space<hbm>>)
    %dma_wait3A_464 = arith.constant 0 : i32
    %dma_wait3A_465 = arith.constant 1 : i32
    %dma_wait3A_466 = arith.constant 0 : i32
    %dma_wait3A_467 = arith.constant 0 : i32
    %dma_wait3A_468 = tpu.memref_slice %arg7[%dma_wait3A_464, %dma_wait3A_465, %dma_wait3A_466, %dma_wait3A_467] : memref<3x2x128x128xf32, #tpu.memory_space<vmem>> -> memref<1x1x128x128xf32, #tpu.memory_space<vmem>>
    %dma_wait3A_469 = tpu.memref_squeeze %dma_wait3A_468 : memref<1x1x128x128xf32, #tpu.memory_space<vmem>> -> memref<128x128xf32, #tpu.memory_space<vmem>>
    %dma_wait3A_470 = arith.constant 128 : i32
    %dma_wait3A_471 = tpu.memref_slice %arg5[%add3A_365, %dma_wait3A_470] : memref<16384x256xf32, #tpu.memory_space<hbm>> -> memref<128x128xf32, #tpu.memory_space<hbm>>
    %dma_wait3A_472 = arith.constant 128 : i32
    %dma_wait3A_473 = tpu.memref_slice %arg5[%add3A_365, %dma_wait3A_472] : memref<16384x256xf32, #tpu.memory_space<hbm>> -> memref<128x128xf32, #tpu.memory_space<hbm>>
    %dma_wait3A_474 = arith.constant 0 : i32
    %dma_wait3A_475 = arith.constant 0 : i32
    %dma_wait3A_476 = tpu.memref_slice %arg7[%dma_wait3A_464, %dma_wait3A_465, %dma_wait3A_474, %dma_wait3A_475] : memref<3x2x128x128xf32, #tpu.memory_space<vmem>> -> memref<1x1x128x128xf32, #tpu.memory_space<vmem>>
    %dma_wait3A_477 = tpu.memref_squeeze %dma_wait3A_476 : memref<1x1x128x128xf32, #tpu.memory_space<vmem>> -> memref<128x128xf32, #tpu.memory_space<vmem>>
    tpu.wait_dma2 semaphore(%arg11 : memref<!tpu.dma_semaphore, #tpu.memory_space<semaphore_mem>>) src(%dma_wait3A_477 : memref<128x128xf32, #tpu.memory_space<vmem>>) dst(%dma_wait3A_473 : memref<128x128xf32, #tpu.memory_space<hbm>>)
    return
  }
}

</mosaic_0001>

<sc_bundles>
// kernel: kernel.3.cloned.1.call-start
scs
__scs_entry_jumppad:
0x0: {  	(pc) =	sbr.rel $0x88, $3  }
0x1: {  	(tag) =	ssettag $0x0;
	lr =	simm.s32 $0x1  }
0x2: {  	[smem:$0x3F9E] =	sst lr;
	_ =	strace $0xD0000000  }
0x3: {  	_ = 	snop  }
0x4: {  	_ = 	snop  }
0x5: {  	_ = 	snop  }
0x6: {  	_ = 	snop  }
0x7: {  	_ = 	snop  }
__scs_overlays_trampoline_lowered:
0x8: {  	[smem:$0x3FAD] =	sst s0  }
0x9: {  	[smem:$0x3FAE] =	sst s1  }
0xa: {  	[smem:$0x3FAF] =	sst s2  }
0xb: {  	[smem:$0x3FB0] =	sst s3  }
0xc: {  	[smem:$0x3FB1] =	sst s4  }
0xd: {  	[smem:$0x3FB2] =	sst s5  }
0xe: {  	[smem:$0x3FB3] =	sst s6  }
0xf: {  	[smem:$0x3FB4] =	sst s7  }
0x10: {  	[smem:$0x3FB5] =	sst s8  }
0x11: {  	[smem:$0x3FB6] =	sst s9;
	s0 =	simm.s32 @!p0 $0x0  }
0x12: {  	s1 =	sld [smem:$0x3F9C];
	s0 =	simm.s32 @p0 $0x1  }
0x13: {  	[smem:$0x3FB7] =	sst s0;
	s0 =	simm.s32 @!p1 $0x0  }
0x14: {  	s2 =	sld [smem:$0x3F9B];
	s0 =	simm.s32 @p1 $0x1  }
0x15: {  	[smem:$0x3FB8] =	sst s0;
	s0 =	simm.s32 @!p2 $0x0  }
0x16: {  	s3 =	sld [smem:$0x3FDB];
	s0 =	simm.s32 @p2 $0x1  }
0x17: {  	s4 =	simm.s32 $0x1BF5;
	[smem:$0x3FBA] =	sst s0  }
0x18: {  	s0 =	sld [smem:$0x3F9D];
	_ =	swait.ge [sflag:s4], $0x0  }
0x19: {  	s7 =	sld [smem:$0x3F9E]  }
0x1a: {  	s8 =	sadd.s32 $0xFFFFE003, lr  }
0x1b: {  	s9 =	sadd.s32 $0xFFFFFEF7, lr;
	s5 =	simm.s32 $0xFFFFFFFF;
	p2 =	slt.u32 s8, $0xFFFFF086  }
0x1c: {  	p1 =	slt.u32 s9, $0xF7A;
	s5 =	simm.s32 @!p2 $0x0  }
0x1d: {  	s5 =	simm.s32 @p1 $0x1;
	p0 =	seq.s32 s7, s2  }
0x1e: {  	s7 =	smul.u32 @!p0 $0xF7A, s2;
	p2 =	seq.s32 @!p0 s5, $0x0  }
0x1f: {  	s9 =	smul.u32 $0xF7A, s1;
	s8 =	simm.s32 @!p0 $0x1BF5;
	p2 =	por !p2, p0  }
0x20: {  	[sflag:s8] =	ssyncset.s32 @!p0 $0xFFFFF086;
	s6 =	sadd.s32 @!p0 s3, s7;
	s7 =	simm.s32 @!p0 $0x108  }
0x21: {  	s3 =	sadd.s32 s3, s9;
	s6 =	sadd.s32 @!p0 $0x88, s6;
	s7 =	simm.s32 @p2 $0x1082  }
0x22: {  	[simem:s7], [sflag:s8] =	dma.local @!p0 [hbm:s6], $0xF7A  }
0x23: {  	s9 =	sor.u32 $0xD0000000, s2;
	s6 =	simm.s32 $0x108;
	_ =	swait.ge @!p0 [sflag:s8], $0x0  }
0x24: {  	s3 =	sadd.s32 $0x88, s3;
	s6 =	simm.s32 @!p1 $0x1082;
	[sflag:s4] =	ssyncset.s32 $0xFFFFF086  }
0x25: {  	[simem:s6], [sflag:s4] =	dma.local [hbm:s3], $0xF7A  }
0x26: {  	[smem:$0x3F9E] =	sst s1;
	(tag) =	ssettag s2;
	_ =	strace s9  }
0x27: {  	s1 =	sld [smem:$0x3FAE]  }
0x28: {  	s2 =	sld [smem:$0x3FAF]  }
0x29: {  	s4 =	sld [smem:$0x3FB1]  }
0x2a: {  	p0 =	seq.s32 s5, $0x0;
	s5 =	sld [smem:$0x3FB2]  }
0x2b: {  	s6 =	sld [smem:$0x3FB3]  }
0x2c: {  	s7 =	sld [smem:$0x3FB4]  }
0x2d: {  	s3 =	simm.s32 $0x108;
	s8 =	sld [smem:$0x3FB5]  }
0x2e: {  	s3 =	simm.s32 @!p0 $0x1082;
	s9 =	sld [smem:$0x3FB6]  }
0x2f: {  	lr =	sadd.s32 s0, s3;
	s0 =	sld [smem:$0x3FAD]  }
0x30: {  	s3 =	sld [smem:$0x3FB0]  }
0x31: {  	[smem:$0x3FB9] =	sst s10  }
0x32: {  	s10 =	sld [smem:$0x3FB7];
	_ =	sdelay $0x3  }
0x33: {  	p0 =	seq.s32 s10, $0x1;
	s10 =	sld [smem:$0x3FB9];
	_ =	sdelay $0x3  }
0x34: {  	[smem:$0x3FB9] =	sst s10  }
0x35: {  	s10 =	sld [smem:$0x3FB8];
	_ =	sdelay $0x3  }
0x36: {  	p1 =	seq.s32 s10, $0x1;
	s10 =	sld [smem:$0x3FB9];
	_ =	sdelay $0x3  }
0x37: {  	[smem:$0x3FB9] =	sst s10  }
0x38: {  	s10 =	sld [smem:$0x3FBA]  }
0x39: {  	_ = 	snop;
	(pc) =	sbr.ind lr, $3  }
0x3a: {  	_ = 	snop  }
0x3b: {  	_ = 	snop  }
0x3c: {  	p2 =	seq.s32 s10, $0x1;
	s10 =	sld [smem:$0x3FB9]  }
0x3d: {  	_ =	shalt  }
0x3e: {  	_ =	shalt  }
0x3f: {  	_ =	shalt  }
0x40: {  	_ =	shalt  }
0x41: {  	_ =	shalt  }
0x42: {  	_ =	shalt  }
0x43: {  	_ =	shalt  }
0x44: {  	_ =	shalt  }
0x45: {  	_ =	shalt  }
0x46: {  	_ =	shalt  }
0x47: {  	_ =	shalt  }
0x48: {  	_ =	shalt  }
0x49: {  	_ =	shalt  }
0x4a: {  	_ =	shalt  }
0x4b: {  	_ =	shalt  }
0x4c: {  	_ =	shalt  }
0x4d: {  	_ =	shalt  }
0x4e: {  	_ =	shalt  }
0x4f: {  	_ =	shalt  }
0x50: {  	_ =	shalt  }
0x51: {  	_ =	shalt  }
0x52: {  	_ =	shalt  }
0x53: {  	_ =	shalt  }
0x54: {  	_ =	shalt  }
0x55: {  	_ =	shalt  }
0x56: {  	_ =	shalt  }
0x57: {  	_ =	shalt  }
0x58: {  	_ =	shalt  }
0x59: {  	_ =	shalt  }
0x5a: {  	_ =	shalt  }
0x5b: {  	_ =	shalt  }
0x5c: {  	_ =	shalt  }
0x5d: {  	_ =	shalt  }
0x5e: {  	_ =	shalt  }
0x5f: {  	_ =	shalt  }
0x60: {  	_ =	shalt  }
0x61: {  	_ =	shalt  }
0x62: {  	_ =	shalt  }
0x63: {  	_ =	shalt  }
0x64: {  	_ =	shalt  }
0x65: {  	_ =	shalt  }
0x66: {  	_ =	shalt  }
0x67: {  	_ =	shalt  }
0x68: {  	_ =	shalt  }
0x69: {  	_ =	shalt  }
0x6a: {  	_ =	shalt  }
0x6b: {  	_ =	shalt  }
0x6c: {  	_ =	shalt  }
0x6d: {  	_ =	shalt  }
0x6e: {  	_ =	shalt  }
0x6f: {  	_ =	shalt  }
0x70: {  	_ =	shalt  }
0x71: {  	_ =	shalt  }
0x72: {  	_ =	shalt  }
0x73: {  	_ =	shalt  }
0x74: {  	_ =	shalt  }
0x75: {  	_ =	shalt  }
0x76: {  	_ =	shalt  }
0x77: {  	_ =	shalt  }
0x78: {  	_ =	shalt  }
0x79: {  	_ =	shalt  }
0x7a: {  	_ =	shalt  }
0x7b: {  	_ =	shalt  }
0x7c: {  	_ =	shalt  }
0x7d: {  	_ =	shalt  }
0x7e: {  	_ =	shalt  }
0x7f: {  	_ =	shalt  }
0x80: {  	_ =	shalt  }
0x81: {  	_ =	shalt  }
0x82: {  	_ =	shalt  }
0x83: {  	_ =	shalt  }
0x84: {  	_ =	shalt  }
0x85: {  	_ =	shalt  }
0x86: {  	_ =	shalt  }
0x87: {  	_ =	shalt  }
.Lfunc_end0:
.L_simem_size_0:
called_computation_lowered:
.L_overlay_start_0:
0x88: {  	s2 =	sld [smem:$0x3FD9]  }
0x89: {  	s3 =	sld [smem:$0x3FFE];
	_ =	sdelay $0x1  }
0x8a: {  	s1 =	srdreg.scid  }
0x8b: {  	s0 =	sand.u32 $0x1, s1  }
0x8c: {  	s18 =	sshll.u32 s0, $0xA;
	s2 =	sadd.s32 s3, s2  }
0x8d: {  	s2 =	sadd.s32 s2, s18  }
0x8e: {  	[smem:$0x3FC5] =	sst s2  }
0x8f: {  	_ = 	snop  }
0x90: {  	s2 =	sld [smem:$0x3FC9]  }
0x91: {  	s19 =	sld [smem:$0x3FC8]  }
0x92: {  	s4 =	sld [smem:$0x3FC7]  }
0x93: {  	s5 =	sld [smem:$0x3FD0];
	(tm) =	ssettm $0x1  }
0x94: {  	s6 =	sld [smem:$0x3FFB];
	_ =	sdelay $0x3  }
0x95: {  	_ =	strace s6  }
0x96: {  	s6 =	sld [smem:$0x3FFC];
	_ =	sdelay $0x3  }
0x97: {  	_ =	strace s6  }
0x98: {  	s6 =	sld [smem:$0x3FFD];
	_ =	sdelay $0x3  }
0x99: {  	_ =	strace s6  }
0x9a: {  	_ =	strace $0x8FFFFFFF  }
0x9b: {  	s20 =	sld [smem:$0x3FDB];
	_ =	sdelay $0x1  }
0x9c: {  	s7 =	simm.s32 $_scs_section_size  }
0x9d: {  	s8 =	simm.s32 $_size__tile_overlayer_lowered;
	s9 =	simm.s32 $_tile_overlayer_lowered  }
0x9e: {  	s23 =	simm.s32 $0x1BFF;
	s22 =	sshll.u32 s9, $0x1;
	s6 =	sadd.s32 s7, s20  }
0x9f: {  	s10 =	simm.s32 $0x0;
	s21 =	sshll.u32 s8, $0x1;
	s8 =	sadd.s32 s22, s6  }
0xa0: {  	[timem:s10], [sflag:s23] =	dma.local [hbm:s8], s21  }
0xa1: {  	_ =	swait.ge [sflag:s23], s21  }
0xa2: {  	s7 =	ssub.s32 $0x0, s21;
	[sflag:s23] =	ssyncset.done $0x0  }
0xa3: {  	[sflag:s23] =	ssyncadd.s32 s7;
	_ =	sdelay $0x1  }
0xa4: {  	s24 =	simm.s32 $0x1B8B  }
0xa5: {  	_ =	swait.ge [sflag:s24], $0x1  }
0xa6: {  	[sflag:s24] =	ssyncset.done $0x0  }
0xa7: {  	s25 =	simm.s32 $0x1B8E;
	[sflag:s24] =	ssyncadd.s32 $0xFFFFFFFF  }
0xa8: {  	s26 =	simm.s32 $execute0_lowered;
	[smem:$0x3FD2] =	sst s25  }
0xa9: {  	s7 =	sshll.u32 s26, $0x1;
	_ =	strace $0x80000046;
	[dreg:$0x1] =	wrdreg $0xFFFFFFFF  }
0xaa: {  	s28 =	simm.s32 $_size_execute0_lowered;
	s6 =	sadd.s32 s6, s7;
	[dreg:$0x0] =	wrdreg $0x0  }
0xab: {  	s7 =	sshll.u32 s28, $0x1;
	[dreg:$0x2] =	wrdreg s6  }
0xac: {  	[dreg:$0x3] =	wrdreg s7  }
0xad: {  	[dreg:$0x4] =	wrdreg $0xC0  }
0xae: {  	_ =	task [dreg:s10], $0x5FFFF  }
0xaf: {  	[dreg:$0x1] =	wrdreg $0xFFFFFFFF  }
0xb0: {  	[dreg:$0x0] =	wrdreg $0x60  }
0xb1: {  	[dreg:$0x2] =	wrdreg s2  }
0xb2: {  	[dreg:$0x3] =	wrdreg s19  }
0xb3: {  	[dreg:$0x4] =	wrdreg s4  }
0xb4: {  	[dreg:$0x5] =	wrdreg s5  }
0xb5: {  	[dreg:$0x6] =	wrdreg $0x182000  }
0xb6: {  	[dreg:$0x7] =	wrdreg $0x9  }
0xb7: {  	_ =	task.clear_ibuf [dreg:s10], $0x8FFFF;
	_ =	strace $0x90000046  }
0xb8: {  	s29 =	simm.s32 $0x9;
	_ =	strace $0x80000048  }
0xb9: {  	_ =	swait.ge [sflag:s29], $0x1  }
0xba: {  	[sflag:s29] =	ssyncadd.s32 $0xFFFFFFFF  }
0xbb: {  	_ =	strace $0x90000048  }
0xbc: {  	_ =	sfence  }
0xbd: {  	s30 =	sld [smem:$0x0];
	_ =	sdelay $0x2  }
0xbe: {  	s31 =	sshll.u32 s1, $0xD;
	s1 =	sshrl.u32 s1, $0x2  }
0xbf: {  	s3 =	sand.u32 $0x4000, s31;
	s1 =	sadd.s32 s1, s30  }
0xc0: {  	s0 =	sor.u32 s3, s0;
	s1 =	sshll.u32 s1, $0x11  }
0xc1: {  	s0 =	sor.u32 s1, s0  }
0xc2: {  	s0 =	sadd.s32 $0x8F2B, s0  }
0xc3: {  	[sflag:s0] =	ssyncadd.remote.s32 $0x1  }
0xc4: {  	_ =	sfence.sel $0xFFFF  }
0xc5: {  	[dreg:$0x0] =	wrdreg $0xFFFFFFFF;
	(pc) =	sbr.abs _section_cstart, $3  }
0xc6: {  	[dreg:$0x1] =	wrdreg $0xFFFFFFFF  }
0xc7: {  	_ =	task.clear_ibuf [dreg:s10], $0x2FFFF;
	_ =	strace $0x9FFFFFFF  }
0xc8: {  	(tm) =	ssettm $0x7FFFFFFF  }
0xc9: {  	_ =	shalt  }
tec
execute0_lowered:
.L_overlay_start_1:
0x0: {  	(tag) =	ssettag $0x1  }
0x1: {  	s0 =	rddreg [dreg:$0x0]  }
0x2: {  	s1 =	rddreg [dreg:$0x1]  }
0x3: {  	s4 =	rddreg [dreg:$0x2]  }
0x4: {  	s5 =	rddreg [dreg:$0x3]  }
0x5: {  	s2 =	rddreg [dreg:$0x4]  }
0x6: {  	s29 =	rddreg [dreg:$0x5];
	s6 =	srdreg.scid  }
0x7: {  	s3 =	simm.s32 $0x0;
	s12 =	stileid.u32;
	p0 =	por $0x0, $0x0  }
0x8: {  	s30 =	simm.s32 $0x180;
	s6 =	sand.u32 $0x1, s6;
	[smem:$0x7FF] =	sst s3  }
0x9: {  	s8 =	sshll.u32 s12, $0x6;
	s23 =	sshll.u32 s12, $0x1;
	s26 =	sshll.u32 s12, $0x7  }
0xa: {  	s17 =	sadd.s32 $0x80, s5;
	s7 =	ssub.s32 $0x2, s6;
	_ =	strace $0x80000047  }
0xb: {  	s10 =	smin.u32 s8, $0x3A8;
	s24 =	sshll.u32 s6, $0x6;
	s25 =	sor.u32 $0x1C03, s8  }
0xc: {  	s9 =	sshrl.u32 s7, $0x1;
	s11 =	sshll.u32 s10, $0x4;
	s10 =	sshll.u32 s10, $0x7  }
0xd: {  	s1 =	sadd.s32 s1, s24;
	[dreg:$0x7] =	wrdreg s25;
	s7 =	ssub.s32 s7, s9  }
0xe: {  	s9 =	sor.u32 s6, s23;
	s4 =	sadd.s32 s4, s11;
	s10 =	sadd.s32 s10, s2  }
0xf: {  	s1 =	sadd.s32 s26, s1;
	s23 =	simm.s32 $0x8200;
	[dreg:$0x6] =	wrdreg s4  }
0x10: {  	s26 =	simm.s32 $0xC200;
	s8 =	sshll.u32 s9, $0x6;
	[dreg:$0x8] =	wrdreg s1  }
0x11: {  	s11 =	sshll.u32 s9, $0xD;
	s9 =	sshll.u32 s9, $0xE;
	s22 =	smax.u32 s7, $0x1  }
0x12: {  	s31 =	sshrl.u32 s10, $0x3;
	s7 =	simm.s32 $0x200;
	s10 =	simm.s32 $0x4200  }
0x13: {  	s12 =	sor.u32 $0x10, s8;
	s24 =	sadd.s32 s0, s11;
	s14 =	sor.u32 $0x20, s8  }
0x14: {  	s19 =	sadd.s32 s5, s9;
	s20 =	sadd.s32 s9, s17;
	s4 =	sor.u32 $0x30, s8  }
0x15: {  	p1 =	sne.s32 s22, $0x1;
	s1 =	rddreg [dreg:$0x6];
	s13 =	sshll.u32 s12, $0x7  }
0x16: {  	s16 =	sshll.u32 s14, $0x7;
	s6 =	sshll.u32 s12, $0x8;
	s18 =	sshll.u32 s4, $0x7  }
0x17: {  	s21 =	sshll.u32 s14, $0x8;
	s4 =	sshll.u32 s4, $0x8;
	s12 =	simm.s32 $0x1  }
0x18: {  	s14 =	simm.s32 $0x400;
	s25 =	sadd.s32 s0, s13;
	s28 =	sadd.s32 s0, s16  }
.Ltmp0:
0x19: {  	s15 =	sadd.s32 s5, s6;
	s16 =	sadd.s32 s6, s17;
	(pc) =	sbr.rel @!p1 .LBB2_1-.Ltmp0, $4  }
0x1a: {  	s11 =	sadd.s32 s0, s18;
	s8 =	sadd.s32 s5, s21;
	s9 =	sadd.s32 s21, s17  }
0x1b: {  	s5 =	sadd.s32 s5, s4;
	s6 =	sadd.s32 s4, s17;
	s13 =	simm.s32 $0x10200  }
0x1c: {  	s4 =	simm.s32 $0x3;
	s21 =	simm.s32 $0x80;
	s0 =	sadd.s32 $0xFFFFFFFF, s22  }
0x1d: {  	s17 =	simm.s32 $0x2;
	s18 =	simm.s32 $0x800;
	s22 =	simm.s32 $0x14200  }
0x1e: {  	s29 =	smov.u32 s0;
	s0 =	rddreg [dreg:$0x7]  }
0x1f: {  	[spmem:s31], [sflag:s0] =	dma.local [hbm:s1], $0x400  }
0x20: {  	s0 =	rddreg [dreg:$0x8]  }
0x21: {  	[tilespmem:s3], [sflag:$0x1] =	stream.linear.gather [hbm4b:s0+s3], $0x200, $0x38;
	[tilespmem:$0x1A140] =	vst v63  }
0x22: {  	_ = 	snop  }
0x23: {  	[tilespmem:s7], [sflag:$0x2] =	stream.linear.gather [hbm4b:s24+s3], $0x4000, $0x38;
	[tilespmem:$0x1A140] =	vst v63  }
0x24: {  	_ = 	snop  }
0x25: {  	[tilespmem:s23], [sflag:$0x2] =	stream.linear.gather [hbm4b:s25+s3], $0x4000, $0x38;
	[tilespmem:$0x1A140] =	vst v63  }
0x26: {  	_ = 	snop  }
0x27: {  	[tilespmem:s13], [sflag:$0x2] =	stream.linear.gather [hbm4b:s28+s3], $0x4000, $0x38;
	[tilespmem:$0x1A140] =	vst v63  }
0x28: {  	_ =	swait.ge [sflag:s4], $0x400  }
0x29: {  	[sflag:s4] =	ssyncset.done $0x0  }
0x2a: {  	[sflag:s4] =	ssyncadd.s32 $0xFFFFFC00  }
0x2b: {  	[bflag:$0x0] =	sbarrier.arrive $0xFFFF  }
0x2c: {  	_ =	swait.ge [sflag:s12], $0x200  }
0x2d: {  	[sflag:s12] =	ssyncset.done $0x0  }
0x2e: {  	[sflag:s12] =	ssyncadd.s32 $0xFFFFFE00  }
0x2f: {  	[tilespmem:s10], [sflag:$0x1] =	stream.indirect.gather [spmem:s2], $0x80, s3, s21, $0xb8;
	[tilespmem:$0x1A140] =	vst v63  }
0x30: {  	_ = 	snop  }
0x31: {  	[tilespmem:s26], [sflag:$0x1] =	stream.indirect.gather [spmem:s2], $0x80, s21, s21, $0xb8;
	[tilespmem:$0x1A140] =	vst v63  }
0x32: {  	_ =	swait.ge [sflag:s12], $0x4000  }
0x33: {  	[sflag:s12] =	ssyncset.done $0x0  }
0x34: {  	[sflag:s12] =	ssyncadd.s32 $0xFFFFC000  }
0x35: {  	_ =	swait.ge [sflag:s17], $0x4000  }
0x36: {  	[sflag:s17] =	ssyncset.done $0x0  }
0x37: {  	[sflag:s17] =	ssyncadd.s32 $0xFFFFC000  }
0x38: {  	[hbm4b:s19+s14] =	stream.strided.scatter [tilespmem:s7], [sflag:$0x3], $0x4000, s18, s14, $0x38;
	[tilespmem:$0x1A140] =	vst v63  }
0x39: {  	_ = 	snop  }
0x3a: {  	[hbm4b:s20+s14] =	stream.strided.scatter [tilespmem:s10], [sflag:$0x3], $0x4000, s18, s14, $0x38;
	[tilespmem:$0x1A140] =	vst v63  }
0x3b: {  	s1 =	simm.s32 $0x100  }
0x3c: {  	[tilespmem:s22], [sflag:$0x1] =	stream.indirect.gather [spmem:s2], $0x80, s1, s21, $0xb8;
	[tilespmem:$0x1A140] =	vst v63  }
0x3d: {  	_ =	swait.ge [sflag:s12], $0x4000  }
0x3e: {  	[sflag:s12] =	ssyncset.done $0x0  }
0x3f: {  	[sflag:s12] =	ssyncadd.s32 $0xFFFFC000  }
0x40: {  	_ =	swait.ge [sflag:s17], $0x4000  }
0x41: {  	[sflag:s17] =	ssyncset.done $0x0  }
0x42: {  	[sflag:s17] =	ssyncadd.s32 $0xFFFFC000  }
0x43: {  	[hbm4b:s15+s14] =	stream.strided.scatter [tilespmem:s23], [sflag:$0x3], $0x4000, s18, s14, $0x38;
	[tilespmem:$0x1A140] =	vst v63  }
0x44: {  	_ = 	snop  }
0x45: {  	[hbm4b:s16+s14] =	stream.strided.scatter [tilespmem:s26], [sflag:$0x3], $0x4000, s18, s14, $0x38;
	[tilespmem:$0x1A140] =	vst v63  }
0x46: {  	_ =	swait.ge [sflag:s4], $0x4000  }
0x47: {  	[sflag:s4] =	ssyncset.done $0x0  }
0x48: {  	[sflag:s4] =	ssyncadd.s32 $0xFFFFC000  }
0x49: {  	_ =	swait.ge [sflag:s4], $0x4000  }
0x4a: {  	[sflag:s4] =	ssyncset.done $0x0  }
0x4b: {  	[sflag:s4] =	ssyncadd.s32 $0xFFFFC000  }
0x4c: {  	[tilespmem:s7], [sflag:$0x2] =	stream.linear.gather [hbm4b:s11+s3], $0x4000, $0x38;
	[tilespmem:$0x1A140] =	vst v63  }
0x4d: {  	_ = 	snop  }
0x4e: {  	[tilespmem:s10], [sflag:$0x1] =	stream.indirect.gather [spmem:s2], $0x80, s30, s21, $0xb8;
	[tilespmem:$0x1A140] =	vst v63  }
0x4f: {  	_ =	swait.ge [sflag:s12], $0x4000  }
0x50: {  	[sflag:s12] =	ssyncset.done $0x0  }
0x51: {  	[sflag:s12] =	ssyncadd.s32 $0xFFFFC000  }
0x52: {  	_ =	swait.ge [sflag:s17], $0x4000  }
0x53: {  	[sflag:s17] =	ssyncset.done $0x0  }
0x54: {  	[sflag:s17] =	ssyncadd.s32 $0xFFFFC000  }
0x55: {  	[hbm4b:s8+s14] =	stream.strided.scatter [tilespmem:s13], [sflag:$0x3], $0x4000, s18, s14, $0x38;
	[tilespmem:$0x1A140] =	vst v63  }
0x56: {  	_ = 	snop  }
0x57: {  	[hbm4b:s9+s14] =	stream.strided.scatter [tilespmem:s22], [sflag:$0x3], $0x4000, s18, s14, $0x38;
	[tilespmem:$0x1A140] =	vst v63  }
0x58: {  	_ =	swait.ge [sflag:s12], $0x4000  }
0x59: {  	[sflag:s12] =	ssyncset.done $0x0  }
0x5a: {  	[sflag:s12] =	ssyncadd.s32 $0xFFFFC000  }
0x5b: {  	_ =	swait.ge [sflag:s17], $0x4000  }
0x5c: {  	[sflag:s17] =	ssyncset.done $0x0  }
0x5d: {  	[sflag:s17] =	ssyncadd.s32 $0xFFFFC000  }
0x5e: {  	[hbm4b:s5+s14] =	stream.strided.scatter [tilespmem:s7], [sflag:$0x3], $0x4000, s18, s14, $0x38;
	[tilespmem:$0x1A140] =	vst v63  }
0x5f: {  	_ = 	snop  }
0x60: {  	[hbm4b:s6+s14] =	stream.strided.scatter [tilespmem:s10], [sflag:$0x3], $0x4000, s18, s14, $0x38;
	[tilespmem:$0x1A140] =	vst v63  }
0x61: {  	_ =	swait.ge [sflag:s4], $0x4000  }
0x62: {  	[sflag:s4] =	ssyncset.done $0x0  }
0x63: {  	[sflag:s4] =	ssyncadd.s32 $0xFFFFC000  }
0x64: {  	_ =	swait.ge [sflag:s4], $0x4000  }
0x65: {  	[sflag:s4] =	ssyncset.done $0x0  }
0x66: {  	[sflag:s4] =	ssyncadd.s32 $0xFFFFC000  }
0x67: {  	_ =	swait.ge [sflag:s4], $0x4000  }
0x68: {  	[sflag:s4] =	ssyncset.done $0x0  }
0x69: {  	[sflag:s4] =	ssyncadd.s32 $0xFFFFC000  }
0x6a: {  	_ =	swait.ge [sflag:s4], $0x4000  }
0x6b: {  	[sflag:s4] =	ssyncset.done $0x0  }
0x6c: {  	p1 =	sne.s32 s29, $0x1;
	[sflag:s4] =	ssyncadd.s32 $0xFFFFC000  }
.Ltmp1:
0x6d: {  	_ =	swait.ge [sflag:s4], $0x4000;
	(pc) =	sbr.rel @!p1 .LBB2_3-.Ltmp1, $4  }
0x6e: {  	[sflag:s4] =	ssyncset.done $0x0  }
0x6f: {  	[sflag:s4] =	ssyncadd.s32 $0xFFFFC000  }
0x70: {  	p0 =	por $0x1, $0x1;
	_ =	swait.ge [sflag:s4], $0x4000  }
0x71: {  	s0 =	sadd.s32 $0xFFFFFFFF, s29;
	s1 =	rddreg [dreg:$0x6];
	[sflag:s4] =	ssyncset.done $0x0  }
.LBB2_4:
0x72: {  	s29 =	rddreg [dreg:$0x7];
	[sflag:s4] =	ssyncadd.s32 $0xFFFFC000  }
0x73: {  	[spmem:s31], [sflag:s29] =	dma.local [hbm:s1], $0x400  }
0x74: {  	s1 =	rddreg [dreg:$0x8]  }
0x75: {  	[tilespmem:s3], [sflag:$0x1] =	stream.linear.gather [hbm4b:s1+s3], $0x200, $0x38;
	[tilespmem:$0x1A140] =	vst v63  }
0x76: {  	_ = 	snop  }
0x77: {  	[tilespmem:s7], [sflag:$0x2] =	stream.linear.gather [hbm4b:s24+s3], $0x4000, $0x38;
	[tilespmem:$0x1A140] =	vst v63  }
0x78: {  	_ = 	snop  }
0x79: {  	[tilespmem:s23], [sflag:$0x2] =	stream.linear.gather [hbm4b:s25+s3], $0x4000, $0x38;
	[tilespmem:$0x1A140] =	vst v63  }
0x7a: {  	_ = 	snop  }
0x7b: {  	[tilespmem:s13], [sflag:$0x2] =	stream.linear.gather [hbm4b:s28+s3], $0x4000, $0x38;
	[tilespmem:$0x1A140] =	vst v63  }
0x7c: {  	_ =	swait.ge [sflag:s4], $0x400  }
0x7d: {  	[sflag:s4] =	ssyncset.done $0x0  }
0x7e: {  	[sflag:s4] =	ssyncadd.s32 $0xFFFFFC00  }
0x7f: {  	[bflag:$0x0] =	sbarrier.arrive $0xFFFF  }
0x80: {  	_ =	swait.ge [sflag:s12], $0x200  }
0x81: {  	[sflag:s12] =	ssyncset.done $0x0  }
0x82: {  	[sflag:s12] =	ssyncadd.s32 $0xFFFFFE00  }
0x83: {  	[tilespmem:s10], [sflag:$0x1] =	stream.indirect.gather [spmem:s2], $0x80, s3, s21, $0xb8;
	[tilespmem:$0x1A140] =	vst v63  }
0x84: {  	_ = 	snop  }
0x85: {  	[tilespmem:s26], [sflag:$0x1] =	stream.indirect.gather [spmem:s2], $0x80, s21, s21, $0xb8;
	[tilespmem:$0x1A140] =	vst v63  }
0x86: {  	_ =	swait.ge [sflag:s12], $0x4000  }
0x87: {  	[sflag:s12] =	ssyncset.done $0x0  }
0x88: {  	[sflag:s12] =	ssyncadd.s32 $0xFFFFC000  }
0x89: {  	_ =	swait.ge [sflag:s17], $0x4000  }
0x8a: {  	[sflag:s17] =	ssyncset.done $0x0  }
0x8b: {  	[sflag:s17] =	ssyncadd.s32 $0xFFFFC000  }
0x8c: {  	[hbm4b:s19+s14] =	stream.strided.scatter [tilespmem:s7], [sflag:$0x3], $0x4000, s18, s14, $0x38;
	[tilespmem:$0x1A140] =	vst v63  }
0x8d: {  	_ = 	snop  }
0x8e: {  	[hbm4b:s20+s14] =	stream.strided.scatter [tilespmem:s10], [sflag:$0x3], $0x4000, s18, s14, $0x38;
	[tilespmem:$0x1A140] =	vst v63  }
0x8f: {  	s29 =	simm.s32 $0x100  }
0x90: {  	[tilespmem:s22], [sflag:$0x1] =	stream.indirect.gather [spmem:s2], $0x80, s29, s21, $0xb8;
	[tilespmem:$0x1A140] =	vst v63  }
0x91: {  	_ =	swait.ge [sflag:s12], $0x4000  }
0x92: {  	[sflag:s12] =	ssyncset.done $0x0  }
0x93: {  	[sflag:s12] =	ssyncadd.s32 $0xFFFFC000  }
0x94: {  	_ =	swait.ge [sflag:s17], $0x4000  }
0x95: {  	[sflag:s17] =	ssyncset.done $0x0  }
0x96: {  	[sflag:s17] =	ssyncadd.s32 $0xFFFFC000  }
0x97: {  	[hbm4b:s15+s14] =	stream.strided.scatter [tilespmem:s23], [sflag:$0x3], $0x4000, s18, s14, $0x38;
	[tilespmem:$0x1A140] =	vst v63  }
0x98: {  	_ = 	snop  }
0x99: {  	[hbm4b:s16+s14] =	stream.strided.scatter [tilespmem:s26], [sflag:$0x3], $0x4000, s18, s14, $0x38;
	[tilespmem:$0x1A140] =	vst v63  }
0x9a: {  	_ =	swait.ge [sflag:s4], $0x4000  }
0x9b: {  	[sflag:s4] =	ssyncset.done $0x0  }
0x9c: {  	[sflag:s4] =	ssyncadd.s32 $0xFFFFC000  }
0x9d: {  	_ =	swait.ge [sflag:s4], $0x4000  }
0x9e: {  	[sflag:s4] =	ssyncset.done $0x0  }
0x9f: {  	[sflag:s4] =	ssyncadd.s32 $0xFFFFC000  }
0xa0: {  	[tilespmem:s7], [sflag:$0x2] =	stream.linear.gather [hbm4b:s11+s3], $0x4000, $0x38;
	[tilespmem:$0x1A140] =	vst v63  }
0xa1: {  	_ = 	snop  }
0xa2: {  	[tilespmem:s10], [sflag:$0x1] =	stream.indirect.gather [spmem:s2], $0x80, s30, s21, $0xb8;
	[tilespmem:$0x1A140] =	vst v63  }
0xa3: {  	_ =	swait.ge [sflag:s12], $0x4000  }
0xa4: {  	[sflag:s12] =	ssyncset.done $0x0  }
0xa5: {  	[sflag:s12] =	ssyncadd.s32 $0xFFFFC000  }
0xa6: {  	_ =	swait.ge [sflag:s17], $0x4000  }
0xa7: {  	[sflag:s17] =	ssyncset.done $0x0  }
0xa8: {  	[sflag:s17] =	ssyncadd.s32 $0xFFFFC000  }
0xa9: {  	[hbm4b:s8+s14] =	stream.strided.scatter [tilespmem:s13], [sflag:$0x3], $0x4000, s18, s14, $0x38;
	[tilespmem:$0x1A140] =	vst v63  }
0xaa: {  	_ = 	snop  }
0xab: {  	[hbm4b:s9+s14] =	stream.strided.scatter [tilespmem:s22], [sflag:$0x3], $0x4000, s18, s14, $0x38;
	[tilespmem:$0x1A140] =	vst v63  }
0xac: {  	_ =	swait.ge [sflag:s12], $0x4000  }
0xad: {  	[sflag:s12] =	ssyncset.done $0x0  }
0xae: {  	[sflag:s12] =	ssyncadd.s32 $0xFFFFC000  }
0xaf: {  	_ =	swait.ge [sflag:s17], $0x4000  }
0xb0: {  	[sflag:s17] =	ssyncset.done $0x0  }
0xb1: {  	[sflag:s17] =	ssyncadd.s32 $0xFFFFC000  }
0xb2: {  	[hbm4b:s5+s14] =	stream.strided.scatter [tilespmem:s7], [sflag:$0x3], $0x4000, s18, s14, $0x38;
	[tilespmem:$0x1A140] =	vst v63  }
0xb3: {  	_ = 	snop  }
0xb4: {  	[hbm4b:s6+s14] =	stream.strided.scatter [tilespmem:s10], [sflag:$0x3], $0x4000, s18, s14, $0x38;
	[tilespmem:$0x1A140] =	vst v63  }
0xb5: {  	_ =	swait.ge [sflag:s4], $0x4000  }
0xb6: {  	[sflag:s4] =	ssyncset.done $0x0  }
0xb7: {  	[sflag:s4] =	ssyncadd.s32 $0xFFFFC000  }
0xb8: {  	_ =	swait.ge [sflag:s4], $0x4000  }
0xb9: {  	[sflag:s4] =	ssyncset.done $0x0  }
0xba: {  	[sflag:s4] =	ssyncadd.s32 $0xFFFFC000  }
0xbb: {  	_ =	swait.ge [sflag:s4], $0x4000  }
0xbc: {  	[sflag:s4] =	ssyncset.done $0x0  }
0xbd: {  	[sflag:s4] =	ssyncadd.s32 $0xFFFFC000  }
0xbe: {  	_ =	swait.ge [sflag:s4], $0x4000  }
0xbf: {  	[sflag:s4] =	ssyncset.done $0x0  }
0xc0: {  	p1 =	sne.s32 s0, $0x1;
	[sflag:s4] =	ssyncadd.s32 $0xFFFFC000  }
.Ltmp2:
0xc1: {  	_ =	swait.ge [sflag:s4], $0x4000;
	(pc) =	sbr.rel @p1 .LBB2_4-.Ltmp2, $4  }
0xc2: {  	[sflag:s4] =	ssyncset.done $0x0  }
0xc3: {  	[sflag:s4] =	ssyncadd.s32 $0xFFFFC000  }
0xc4: {  	_ =	swait.ge [sflag:s4], $0x4000  }
0xc5: {  	s0 =	sadd.s32 $0xFFFFFFFF, s0;
	s1 =	rddreg [dreg:$0x6];
	[sflag:s4] =	ssyncset.done $0x0  }
0xc6: {  	s30 =	simm.s32 $0x100;
	s29 =	rddreg [dreg:$0x5]  }
.LBB2_6:
0xc7: {  	s0 =	rddreg [dreg:$0x7];
	[sflag:s4] =	ssyncadd.s32 @p0 $0xFFFFC000  }
0xc8: {  	[spmem:s31], [sflag:s0] =	dma.local [hbm:s1], $0x400  }
0xc9: {  	s0 =	rddreg [dreg:$0x8]  }
0xca: {  	[tilespmem:s3], [sflag:$0x1] =	stream.linear.gather [hbm4b:s0+s3], $0x200, $0x38;
	[tilespmem:$0x1A140] =	vst v63  }
0xcb: {  	_ = 	snop  }
0xcc: {  	[tilespmem:s7], [sflag:$0x2] =	stream.linear.gather [hbm4b:s24+s3], $0x4000, $0x38;
	[tilespmem:$0x1A140] =	vst v63  }
0xcd: {  	_ = 	snop  }
0xce: {  	[tilespmem:s23], [sflag:$0x2] =	stream.linear.gather [hbm4b:s25+s3], $0x4000, $0x38;
	[tilespmem:$0x1A140] =	vst v63  }
0xcf: {  	_ = 	snop  }
0xd0: {  	[tilespmem:s13], [sflag:$0x2] =	stream.linear.gather [hbm4b:s28+s3], $0x4000, $0x38;
	[tilespmem:$0x1A140] =	vst v63  }
0xd1: {  	_ =	swait.ge [sflag:s4], $0x400  }
0xd2: {  	[sflag:s4] =	ssyncset.done $0x0  }
0xd3: {  	[sflag:s4] =	ssyncadd.s32 $0xFFFFFC00  }
0xd4: {  	[bflag:$0x0] =	sbarrier.arrive $0xFFFF  }
0xd5: {  	_ =	swait.ge [sflag:s12], $0x200  }
0xd6: {  	[sflag:s12] =	ssyncset.done $0x0  }
0xd7: {  	[sflag:s12] =	ssyncadd.s32 $0xFFFFFE00  }
0xd8: {  	[tilespmem:s10], [sflag:$0x1] =	stream.indirect.gather [spmem:s2], $0x80, s3, s21, $0xb8;
	[tilespmem:$0x1A140] =	vst v63  }
0xd9: {  	_ = 	snop  }
0xda: {  	[tilespmem:s26], [sflag:$0x1] =	stream.indirect.gather [spmem:s2], $0x80, s21, s21, $0xb8;
	[tilespmem:$0x1A140] =	vst v63  }
0xdb: {  	_ =	swait.ge [sflag:s12], $0x4000  }
0xdc: {  	[sflag:s12] =	ssyncset.done $0x0  }
0xdd: {  	[sflag:s12] =	ssyncadd.s32 $0xFFFFC000  }
0xde: {  	_ =	swait.ge [sflag:s17], $0x4000  }
0xdf: {  	[sflag:s17] =	ssyncset.done $0x0  }
0xe0: {  	[sflag:s17] =	ssyncadd.s32 $0xFFFFC000  }
0xe1: {  	[hbm4b:s19+s14] =	stream.strided.scatter [tilespmem:s7], [sflag:$0x3], $0x4000, s18, s14, $0x38;
	[tilespmem:$0x1A140] =	vst v63  }
0xe2: {  	_ = 	snop  }
0xe3: {  	[hbm4b:s20+s14] =	stream.strided.scatter [tilespmem:s10], [sflag:$0x3], $0x4000, s18, s14, $0x38;
	[tilespmem:$0x1A140] =	vst v63  }
0xe4: {  	_ = 	snop  }
0xe5: {  	[tilespmem:s22], [sflag:$0x1] =	stream.indirect.gather [spmem:s2], $0x80, s30, s21, $0xb8;
	[tilespmem:$0x1A140] =	vst v63  }
0xe6: {  	_ =	swait.ge [sflag:s12], $0x4000  }
0xe7: {  	[sflag:s12] =	ssyncset.done $0x0  }
0xe8: {  	[sflag:s12] =	ssyncadd.s32 $0xFFFFC000  }
0xe9: {  	_ =	swait.ge [sflag:s17], $0x4000  }
0xea: {  	[sflag:s17] =	ssyncset.done $0x0  }
0xeb: {  	[sflag:s17] =	ssyncadd.s32 $0xFFFFC000  }
0xec: {  	[hbm4b:s15+s14] =	stream.strided.scatter [tilespmem:s23], [sflag:$0x3], $0x4000, s18, s14, $0x38;
	[tilespmem:$0x1A140] =	vst v63  }
0xed: {  	_ = 	snop  }
0xee: {  	[hbm4b:s16+s14] =	stream.strided.scatter [tilespmem:s26], [sflag:$0x3], $0x4000, s18, s14, $0x38;
	[tilespmem:$0x1A140] =	vst v63  }
0xef: {  	_ =	swait.ge [sflag:s4], $0x4000  }
0xf0: {  	[sflag:s4] =	ssyncset.done $0x0  }
0xf1: {  	[sflag:s4] =	ssyncadd.s32 $0xFFFFC000  }
0xf2: {  	_ =	swait.ge [sflag:s4], $0x4000  }
0xf3: {  	[sflag:s4] =	ssyncset.done $0x0  }
0xf4: {  	[sflag:s4] =	ssyncadd.s32 $0xFFFFC000  }
0xf5: {  	[tilespmem:s7], [sflag:$0x2] =	stream.linear.gather [hbm4b:s11+s3], $0x4000, $0x38;
	[tilespmem:$0x1A140] =	vst v63  }
0xf6: {  	s30 =	simm.s32 $0x180  }
0xf7: {  	[tilespmem:s10], [sflag:$0x1] =	stream.indirect.gather [spmem:s2], $0x80, s30, s21, $0xb8;
	[tilespmem:$0x1A140] =	vst v63  }
0xf8: {  	_ =	swait.ge [sflag:s12], $0x4000  }
0xf9: {  	[sflag:s12] =	ssyncset.done $0x0  }
0xfa: {  	[sflag:s12] =	ssyncadd.s32 $0xFFFFC000  }
0xfb: {  	_ =	swait.ge [sflag:s17], $0x4000  }
0xfc: {  	[sflag:s17] =	ssyncset.done $0x0  }
0xfd: {  	[sflag:s17] =	ssyncadd.s32 $0xFFFFC000  }
0xfe: {  	[hbm4b:s8+s14] =	stream.strided.scatter [tilespmem:s13], [sflag:$0x3], $0x4000, s18, s14, $0x38;
	[tilespmem:$0x1A140] =	vst v63  }
0xff: {  	_ = 	snop  }
0x100: {  	[hbm4b:s9+s14] =	stream.strided.scatter [tilespmem:s22], [sflag:$0x3], $0x4000, s18, s14, $0x38;
	[tilespmem:$0x1A140] =	vst v63  }
0x101: {  	_ =	swait.ge [sflag:s12], $0x4000  }
0x102: {  	[sflag:s12] =	ssyncset.done $0x0  }
0x103: {  	[sflag:s12] =	ssyncadd.s32 $0xFFFFC000  }
0x104: {  	_ =	swait.ge [sflag:s17], $0x4000  }
0x105: {  	[sflag:s17] =	ssyncset.done $0x0  }
0x106: {  	[sflag:s17] =	ssyncadd.s32 $0xFFFFC000  }
0x107: {  	[hbm4b:s5+s14] =	stream.strided.scatter [tilespmem:s7], [sflag:$0x3], $0x4000, s18, s14, $0x38;
	[tilespmem:$0x1A140] =	vst v63  }
0x108: {  	_ = 	snop  }
0x109: {  	[hbm4b:s6+s14] =	stream.strided.scatter [tilespmem:s10], [sflag:$0x3], $0x4000, s18, s14, $0x38;
	[tilespmem:$0x1A140] =	vst v63  }
0x10a: {  	_ =	swait.ge [sflag:s4], $0x4000  }
0x10b: {  	[sflag:s4] =	ssyncset.done $0x0  }
0x10c: {  	[sflag:s4] =	ssyncadd.s32 $0xFFFFC000  }
0x10d: {  	_ =	swait.ge [sflag:s4], $0x4000  }
0x10e: {  	[sflag:s4] =	ssyncset.done $0x0  }
0x10f: {  	[sflag:s4] =	ssyncadd.s32 $0xFFFFC000  }
0x110: {  	_ =	swait.ge [sflag:s4], $0x4000  }
0x111: {  	[sflag:s4] =	ssyncset.done $0x0  }
0x112: {  	[sflag:s4] =	ssyncadd.s32 $0xFFFFC000  }
0x113: {  	_ =	swait.ge [sflag:s4], $0x4000  }
0x114: {  	[sflag:s4] =	ssyncset.done $0x0  }
0x115: {  	[sflag:s4] =	ssyncadd.s32 $0xFFFFC000  }
0x116: {  	_ =	swait.ge [sflag:s4], $0x4000  }
0x117: {  	[sflag:s4] =	ssyncset.done $0x0  }
0x118: {  	[sflag:s4] =	ssyncadd.s32 $0xFFFFC000  }
0x119: {  	_ =	swait.ge [sflag:s4], $0x4000  }
0x11a: {  	[sflag:s4] =	ssyncset.done $0x0  }
0x11b: {  	[sflag:s4] =	ssyncadd.s32 $0xFFFFC000  }
0x11c: {  	_ =	sfence.sel $0x180000  }
0x11d: {  	s31 =	stileid.u32;
	[bflag:$0x0] =	sbarrier.arrive $0xFFFF  }
0x11e: {  	p0 =	sne.s32 s31, $0x0;
	_ =	strace $0x90000047  }
0x11f: {  	s0 =	sadd.s32 @!p0 $0x100000, s29;
	[bflag:$0x2] =	sbarrier.arrive $0xFFFF  }
0x120: {  	[sflag:s0] =	ssyncadd.tile.s32 @!p0 $0x1;
	_ =	shalt  }
.LBB2_1:
.Ltmp3:
0x121: {  	(pc) =	sbr.rel .LBB2_6-.Ltmp3, $2  }
0x122: {  	_ =	sdelay $0x2  }
0x123: {  	s30 =	simm.s32 $0x100  }
.LBB2_3:
.Ltmp4:
0x124: {  	(pc) =	sbr.rel .LBB2_6-.Ltmp4, $2  }
0x125: {  	_ =	sdelay $0x2  }
0x126: {  	s30 =	simm.s32 $0x100;
	s29 =	rddreg [dreg:$0x5]  }
.Lfunc_end2:
_tile_overlayer_lowered:
.L_overlay_start_2:
0x127: {  	(tag) =	ssettag $0x2  }
0x128: {  	s0 =	rddreg [dreg:$0x0];
	s2 =	stileid.u32  }
0x129: {  	s1 =	rddreg [dreg:$0x1];
	p0 =	sne.s32 s2, $0x0  }
0x12a: {  	s3 =	rddreg [dreg:$0x2];
	[bflag:$0x3] =	sbarrier.arrive $0xFFFF;
	s2 =	simm.s32 @!p0 $0x1C04  }
0x12b: {  	[timem:s3], [sflag:s2] =	dma.local @!p0 [hbm:s0], s1  }
0x12c: {  	s0 =	simm.s32 @!p0 $0x4  }
0x12d: {  	_ =	swait.ge @!p0 [sflag:s0], s1  }
0x12e: {  	s1 =	ssub.s32 @!p0 $0x0, s1;
	[sflag:s0] =	ssyncset.done @!p0 $0x0  }
0x12f: {  	[sflag:s0] =	ssyncadd.s32 @!p0 s1  }
0x130: {  	[bflag:$0x3] =	sbarrier.arrive $0xFFFF  }
0x131: {  	_ =	shalt  }

</sc_bundles>
